<compile_context>
chip_gen: v7x
topology: tpu7x:2x2x1
jax: 0.10.2.dev20260603
libtpu: 0.0.44.dev20260713+nightly
codegen_flags: <defaults>
</compile_context>

<pallas_src>
import functools

import jax
import jax.numpy as jnp
from jax import lax
from jax.experimental import pallas as pl
from jax.experimental.pallas import tpu as pltpu
from jax.experimental.pallas import tpu_sc as plsc

_NC = 2
_NS = 16
_NW = _NC * _NS
_B = 128
_BD = 128
_KSPLIT = (75, 82)
_MESH = dict(core_axis_name="c", subcore_axis_name="s")


def _sc_scatter(g, src3, dst3, zfeat, npad, d, k0, k1):
    rpt = npad // _NS
    kmax = max(k0, k1)
    mesh = plsc.VectorSubcoreMesh(**_MESH)

    @functools.partial(
        pl.kernel,
        out_type=jax.ShapeDtypeStruct((_NC, npad, d), jnp.float32),
        mesh=mesh,
        scratch_types=[
            pltpu.VMEM((kmax, _B), jnp.int32),
            pltpu.VMEM((kmax, _B), jnp.int32),
            pltpu.VMEM((_B, d), jnp.float32),
            pltpu.VMEM_SHARED((npad, d), jnp.float32),
            pltpu.SemaphoreType.DMA,
        ],
    )
    def scat_kernel(g_hbm, src_hbm, dst_hbm, z_hbm, out_hbm,
                    idx_s, idx_d, rows, acc, sem):
        cid = lax.axis_index("c")
        sid = lax.axis_index("s")
        wid = sid * _NC + cid
        sl = pl.ds(sid * rpt, rpt)

        @pl.when(cid == 0)
        def _():
            pltpu.sync_copy(g_hbm.at[sl], acc.at[sl])

        @pl.when(cid != 0)
        def _():
            pltpu.sync_copy(z_hbm.at[sl], acc.at[sl])

        pltpu.sync_copy(src_hbm.at[wid], idx_s)
        pltpu.sync_copy(dst_hbm.at[wid], idx_d)
        plsc.subcore_barrier()

        kw = jnp.where(cid == 0, k0, k1)

        @pl.loop(0, kw)
        def _(j):
            pltpu.async_copy(g_hbm.at[idx_s.at[j]], rows, sem).wait()
            pltpu.sync_copy(rows, acc.at[idx_d.at[j]], add=True)

        plsc.subcore_barrier()
        pltpu.sync_copy(acc.at[sl], out_hbm.at[cid, sl])

    return scat_kernel(g, src3, dst3, zfeat)


def _sc_degree(dst3, ones_feat, zfeat, npad, d, kd):
    rpt = npad // _NS
    nsem = 4
    mesh = plsc.VectorSubcoreMesh(**_MESH)

    @functools.partial(
        pl.kernel,
        out_type=jax.ShapeDtypeStruct((_NC, npad, d), jnp.float32),
        mesh=mesh,
        scratch_types=[
            pltpu.VMEM((kd, _BD), jnp.int32),
            pltpu.VMEM((_BD, d), jnp.float32),
            pltpu.VMEM_SHARED((npad, d), jnp.float32),
        ] + [pltpu.SemaphoreType.DMA] * nsem,
    )
    def deg_kernel(dst_hbm, ones_hbm, z_hbm, out_hbm, idx_d, ones_v, acc,
                   *sems):
        cid = lax.axis_index("c")
        sid = lax.axis_index("s")
        wid = sid * _NC + cid
        sl = pl.ds(sid * rpt, rpt)

        @pl.when(cid == 0)
        def _():
            pltpu.sync_copy(ones_hbm.at[sl], acc.at[sl])

        @pl.when(cid != 0)
        def _():
            pltpu.sync_copy(z_hbm.at[sl], acc.at[sl])

        pltpu.sync_copy(ones_hbm.at[pl.ds(0, _BD)], ones_v)
        pltpu.sync_copy(dst_hbm.at[wid], idx_d)
        plsc.subcore_barrier()

        @pl.loop(0, kd)
        def _(j):
            for s in range(nsem):
                @pl.when(j % nsem == s)
                def _():
                    pltpu.async_copy(ones_v, acc.at[idx_d.at[j]], sems[s],
                                     add=True)

            @pl.when(j >= nsem)
            def _():
                for s in range(nsem):
                    @pl.when(j % nsem == s)
                    def _():
                        pltpu.make_async_copy(
                            ones_v, acc.at[idx_d.at[j - nsem]],
                            sems[s]).wait()

        @pl.loop(kd - nsem, kd)
        def _(j):
            for s in range(nsem):
                @pl.when(j % nsem == s)
                def _():
                    pltpu.make_async_copy(ones_v, acc.at[idx_d.at[j]],
                                          sems[s]).wait()

        plsc.subcore_barrier()
        pltpu.sync_copy(acc.at[sl], out_hbm.at[cid, sl])

    return deg_kernel(dst3, ones_feat, zfeat)


def _dinv_of(degs_blk):
    deg = degs_blk[0, :, 0] + degs_blk[1, :, 0]
    return lax.rsqrt(deg)


def _tc_g1(xpad, W1, degs, npad, d, bm):
    def body(x_ref, w_ref, degs_ref, g_ref):
        h = jnp.dot(x_ref[...], w_ref[...], preferred_element_type=jnp.float32)
        g_ref[...] = h * _dinv_of(degs_ref)[:, None]

    return pl.pallas_call(
        body,
        grid=(npad // bm,),
        in_specs=[
            pl.BlockSpec((bm, d), lambda i: (i, 0)),
            pl.BlockSpec((d, d), lambda i: (0, 0)),
            pl.BlockSpec((_NC, bm, d), lambda i: (0, i, 0)),
        ],
        out_specs=pl.BlockSpec((bm, d), lambda i: (i, 0)),
        out_shape=jax.ShapeDtypeStruct((npad, d), jnp.float32),
    )(xpad, W1, degs)


def _tc_mid(S1, degs, b1, W2, npad, d, bm):
    def body(s_ref, degs_ref, b_ref, w_ref, pen_ref, g2_ref):
        dinv = _dinv_of(degs_ref)[:, None]
        ssum = s_ref[0] + s_ref[1]
        pen = jnp.maximum(ssum * dinv + b_ref[...], 0.0)
        pen_ref[...] = pen
        h2 = jnp.dot(pen, w_ref[...], preferred_element_type=jnp.float32)
        g2_ref[...] = h2 * dinv

    return pl.pallas_call(
        body,
        grid=(npad // bm,),
        in_specs=[
            pl.BlockSpec((_NC, bm, d), lambda i: (0, i, 0)),
            pl.BlockSpec((_NC, bm, d), lambda i: (0, i, 0)),
            pl.BlockSpec((1, d), lambda i: (0, 0)),
            pl.BlockSpec((d, d), lambda i: (0, 0)),
        ],
        out_specs=[
            pl.BlockSpec((bm, d), lambda i: (i, 0)),
            pl.BlockSpec((bm, d), lambda i: (i, 0)),
        ],
        out_shape=[
            jax.ShapeDtypeStruct((npad, d), jnp.float32),
            jax.ShapeDtypeStruct((npad, d), jnp.float32),
        ],
    )(S1, degs, b1, W2)


def _tc_out(S2, degs, b2, npad, d, bm):
    def body(s_ref, degs_ref, b_ref, out_ref):
        dinv = _dinv_of(degs_ref)[:, None]
        out_ref[...] = (s_ref[0] + s_ref[1]) * dinv + b_ref[...]

    return pl.pallas_call(
        body,
        grid=(npad // bm,),
        in_specs=[
            pl.BlockSpec((_NC, bm, d), lambda i: (0, i, 0)),
            pl.BlockSpec((_NC, bm, d), lambda i: (0, i, 0)),
            pl.BlockSpec((1, d), lambda i: (0, 0)),
        ],
        out_specs=pl.BlockSpec((bm, d), lambda i: (i, 0)),
        out_shape=jax.ShapeDtypeStruct((npad, d), jnp.float32),
    )(S2, degs, b2)


def _pad_edges(idx, padval, nw, k, b):
    epad = nw * k * b
    pad = jnp.full((epad - idx.shape[0],), padval, jnp.int32)
    return jnp.concatenate([idx, pad]).reshape(nw, k, b)


def _split_edges(idx, padval, k0, k1, b):
    na = _NS * k0 * b
    nb = _NS * k1 * b
    pad = jnp.full((na + nb - idx.shape[0],), padval, jnp.int32)
    full = jnp.concatenate([idx, pad])
    part_a = full[:na].reshape(_NS, k0, b)
    part_b = full[na:].reshape(_NS, k1, b)
    kmax = max(k0, k1)

    def widen(p, kk):
        if kk == kmax:
            return p
        fill = jnp.full((_NS, kmax - kk, b), padval, jnp.int32)
        return jnp.concatenate([p, fill], axis=1)

    return jnp.stack([widen(part_a, k0), widen(part_b, k1)],
                     axis=1).reshape(_NW, kmax, b)


def kernel(x, edge_index, W1, b1, W2, b2):
    n, d = x.shape
    e = edge_index.shape[1]
    bm = 256
    npad = -(-n // bm) * bm
    k0, k1 = _KSPLIT
    k1 = max(k1, -(-e // (_NS * _B)) - k0)
    kd = -(-(-(-e // _NW)) // _BD)

    src3 = _split_edges(edge_index[0], n, k0, k1, _B)
    dst3 = _split_edges(edge_index[1], n, k0, k1, _B)
    dst3d = _pad_edges(edge_index[1], n, _NW, kd, _BD)

    xpad = jnp.zeros((npad, d), x.dtype).at[:n].set(x)
    ones_feat = jnp.ones((npad, d), jnp.float32)
    zfeat = jnp.zeros((npad, d), jnp.float32)
    b1r = b1.reshape(1, d)
    b2r = b2.reshape(1, d)

    degs = _sc_degree(dst3d, ones_feat, zfeat, npad, d, kd)
    g1 = _tc_g1(xpad, W1, degs, npad, d, bm)
    S1 = _sc_scatter(g1, src3, dst3, zfeat, npad, d, k0, k1)
    pen_pad, g2 = _tc_mid(S1, degs, b1r, W2, npad, d, bm)
    S2 = _sc_scatter(g2, src3, dst3, zfeat, npad, d, k0, k1)
    out_pad = _tc_out(S2, degs, b2r, npad, d, bm)
    return (out_pad[:n], pen_pad[:n])

# --- scband reference (transcript-rebuilt; emitter-appended) ---
"""Pipeline reference for scband-gcn-80247168959127 (READ-ONLY COPY).

The authoritative reference and input builder live on the scoring server;
editing this copy changes nothing except your own understanding.
"""

import jax, jax.numpy as jnp
import numpy as np

N = 10000
E = 320000
D = 128


def setup_inputs(seed: int = 0) -> dict:
    key = jax.random.key(seed)
    k1, k2, k3, k4 = jax.random.split(key, 4)
    x = jax.random.normal(k1, (N, D), dtype=jnp.float32)
    edge_index = jax.random.randint(k2, (2, E), 0, N, dtype=jnp.int32)
    W1 = jax.random.normal(k3, (D, D), dtype=jnp.float32) * 0.05
    b1 = jnp.zeros((D,), dtype=jnp.float32)
    W2 = jax.random.normal(k4, (D, D), dtype=jnp.float32) * 0.05
    b2 = jnp.zeros((D,), dtype=jnp.float32)
    return {"x": x, "edge_index": edge_index, "W1": W1, "b1": b1, "W2": W2, "b2": b2}


def _gcn_conv(x, src, dst, W, b, num_nodes):
    # PyG GCNConv: x' = D^{-1/2} (A + I) D^{-1/2} X W + b  (self-loops appended by caller)
    h = x @ W
    ones = jnp.ones((src.shape[0],), dtype=x.dtype)
    deg = jnp.zeros((num_nodes,), dtype=x.dtype).at[dst].add(ones)
    dinv = jnp.where(deg > 0, 1.0 / jnp.sqrt(deg), 0.0)
    norm = dinv[src] * dinv[dst]
    msg = h[src] * norm[:, None]
    out = jnp.zeros_like(h).at[dst].add(msg)
    return out + b


def reference(x, edge_index, W1, b1, W2, b2):
    loop = jnp.arange(N, dtype=edge_index.dtype)
    src = jnp.concatenate([edge_index[0], loop])
    dst = jnp.concatenate([edge_index[1], loop])
    # hidden layer(s) with activation
    h = jax.nn.relu(_gcn_conv(x, src, dst, W1, b1, N))
    pen = h  # penultimate features (x.clone() in torch)
    out = _gcn_conv(h, src, dst, W2, b2, N)
    return (out, pen)

if __name__ == "__main__":
    import jax
    _d = setup_inputs()
    print(jax.jit(kernel)(*tuple(_d.values())))

</pallas_src>

<mosaic_0001>
#map = affine_map<(d0, d1) -> (0, 0)>
#map1 = affine_map<(d0, d1) -> (0, 0, 0)>
module attributes {stable_mosaic.version = 14 : i64} {
  func.func @scat_kernel(%arg0: i32, %arg1: i32, %arg2: memref<10240x128xf32, #tpu.memory_space<hbm>>, %arg3: memref<32x82x128xi32, #tpu.memory_space<hbm>>, %arg4: memref<32x82x128xi32, #tpu.memory_space<hbm>>, %arg5: memref<10240x128xf32, #tpu.memory_space<hbm>>, %arg6: memref<2x10240x128xf32, #tpu.memory_space<hbm>>, %arg7: memref<82x128xi32, #tpu.memory_space<vmem>>, %arg8: memref<82x128xi32, #tpu.memory_space<vmem>>, %arg9: memref<128x128xf32, #tpu.memory_space<vmem>>, %arg10: memref<10240x128xf32, #tpu.memory_space<vmem_shared>>, %arg11: memref<!tpu.dma_semaphore, #tpu.memory_space<semaphore_mem>>) attributes {dimension_semantics = [#tpu.dimension_semantics<core_parallel>, #tpu.dimension_semantics<subcore_parallel>], iteration_bounds = array<i64: 2, 16>, scalar_prefetch = 0 : i64, scratch_operands = 5 : i64, tpu.core_type = #tpu.core_type<sc_vector_subcore>, window_params = [{transform_indices = #map}, {transform_indices = #map1}, {transform_indices = #map1}, {transform_indices = #map}, {transform_indices = #map1}]} {
    %mul3A = arith.constant 2 : i32
    %mul3A_0 = arith.muli %arg1, %mul3A : i32
    %add3A = arith.addi %mul3A_0, %arg0 : i32
    %mul3A_1 = arith.constant 640 : i32
    %mul3A_2 = arith.muli %arg1, %mul3A_1 : i32
    %eq3A = arith.constant 0 : i32
    %eq3A_3 = arith.cmpi eq, %arg0, %eq3A : i32
    %convert_element_type3A = arith.extui %eq3A_3 : i1 to i32
    %cond3A = arith.constant 0 : i32
    %cond3A_4 = arith.cmpi ne, %convert_element_type3A, %cond3A : i32
    scf.if %cond3A_4 {
      "tpu.region"() ({
        %run_scoped3A = tpu.sem_alloc : memref<!tpu.dma_semaphore, #tpu.memory_space<semaphore_mem>>
        %dma_start3A = arith.constant 0 : i32
        %dma_start3A_29 = tpu.memref_slice %arg10[%mul3A_2, %dma_start3A] : memref<10240x128xf32, #tpu.memory_space<vmem_shared>> -> memref<640x128xf32, #tpu.memory_space<vmem_shared>>
        %dma_start3A_30 = arith.constant 0 : i32
        %dma_start3A_31 = tpu.memref_slice %arg2[%mul3A_2, %dma_start3A_30] : memref<10240x128xf32, #tpu.memory_space<hbm>> -> memref<640x128xf32, #tpu.memory_space<hbm>>
        tpu.enqueue_dma source(%dma_start3A_31 : memref<640x128xf32, #tpu.memory_space<hbm>>) target(%dma_start3A_29 : memref<640x128xf32, #tpu.memory_space<vmem_shared>>) target_semaphore(%run_scoped3A : memref<!tpu.dma_semaphore, #tpu.memory_space<semaphore_mem>>)
        %dma_wait3A = arith.constant 0 : i32
        %dma_wait3A_32 = tpu.memref_slice %arg10[%mul3A_2, %dma_wait3A] : memref<10240x128xf32, #tpu.memory_space<vmem_shared>> -> memref<640x128xf32, #tpu.memory_space<vmem_shared>>
        %dma_wait3A_33 = arith.constant 0 : i32
        %dma_wait3A_34 = tpu.memref_slice %arg2[%mul3A_2, %dma_wait3A_33] : memref<10240x128xf32, #tpu.memory_space<hbm>> -> memref<640x128xf32, #tpu.memory_space<hbm>>
        tpu.wait_dma2 semaphore(%run_scoped3A : memref<!tpu.dma_semaphore, #tpu.memory_space<semaphore_mem>>) src(%dma_wait3A_34 : memref<640x128xf32, #tpu.memory_space<hbm>>) dst(%dma_wait3A_32 : memref<640x128xf32, #tpu.memory_space<vmem_shared>>)
        tpu.yield
      }) : () -> ()
    } else {
    }
    %ne3A = arith.constant 0 : i32
    %ne3A_5 = arith.cmpi ne, %arg0, %ne3A : i32
    %convert_element_type3A_6 = arith.extui %ne3A_5 : i1 to i32
    %cond3A_7 = arith.constant 0 : i32
    %cond3A_8 = arith.cmpi ne, %convert_element_type3A_6, %cond3A_7 : i32
    scf.if %cond3A_8 {
      "tpu.region"() ({
        %run_scoped3A = tpu.sem_alloc : memref<!tpu.dma_semaphore, #tpu.memory_space<semaphore_mem>>
        %dma_start3A = arith.constant 0 : i32
        %dma_start3A_29 = tpu.memref_slice %arg10[%mul3A_2, %dma_start3A] : memref<10240x128xf32, #tpu.memory_space<vmem_shared>> -> memref<640x128xf32, #tpu.memory_space<vmem_shared>>
        %dma_start3A_30 = arith.constant 0 : i32
        %dma_start3A_31 = tpu.memref_slice %arg5[%mul3A_2, %dma_start3A_30] : memref<10240x128xf32, #tpu.memory_space<hbm>> -> memref<640x128xf32, #tpu.memory_space<hbm>>
        tpu.enqueue_dma source(%dma_start3A_31 : memref<640x128xf32, #tpu.memory_space<hbm>>) target(%dma_start3A_29 : memref<640x128xf32, #tpu.memory_space<vmem_shared>>) target_semaphore(%run_scoped3A : memref<!tpu.dma_semaphore, #tpu.memory_space<semaphore_mem>>)
        %dma_wait3A = arith.constant 0 : i32
        %dma_wait3A_32 = tpu.memref_slice %arg10[%mul3A_2, %dma_wait3A] : memref<10240x128xf32, #tpu.memory_space<vmem_shared>> -> memref<640x128xf32, #tpu.memory_space<vmem_shared>>
        %dma_wait3A_33 = arith.constant 0 : i32
        %dma_wait3A_34 = tpu.memref_slice %arg5[%mul3A_2, %dma_wait3A_33] : memref<10240x128xf32, #tpu.memory_space<hbm>> -> memref<640x128xf32, #tpu.memory_space<hbm>>
        tpu.wait_dma2 semaphore(%run_scoped3A : memref<!tpu.dma_semaphore, #tpu.memory_space<semaphore_mem>>) src(%dma_wait3A_34 : memref<640x128xf32, #tpu.memory_space<hbm>>) dst(%dma_wait3A_32 : memref<640x128xf32, #tpu.memory_space<vmem_shared>>)
        tpu.yield
      }) : () -> ()
    } else {
    }
    "tpu.region"() ({
      %run_scoped3A = tpu.sem_alloc : memref<!tpu.dma_semaphore, #tpu.memory_space<semaphore_mem>>
      %dma_start3A = arith.constant 0 : i32
      %dma_start3A_29 = arith.constant 0 : i32
      %dma_start3A_30 = tpu.memref_slice %arg3[%add3A, %dma_start3A, %dma_start3A_29] : memref<32x82x128xi32, #tpu.memory_space<hbm>> -> memref<1x82x128xi32, #tpu.memory_space<hbm>>
      %dma_start3A_31 = tpu.memref_squeeze %dma_start3A_30 : memref<1x82x128xi32, #tpu.memory_space<hbm>> -> memref<82x128xi32, #tpu.memory_space<hbm>>
      %dma_start3A_32 = arith.constant 0 : i32
      %dma_start3A_33 = arith.constant 0 : i32
      %dma_start3A_34 = tpu.memref_slice %arg3[%add3A, %dma_start3A_32, %dma_start3A_33] : memref<32x82x128xi32, #tpu.memory_space<hbm>> -> memref<1x82x128xi32, #tpu.memory_space<hbm>>
      %dma_start3A_35 = tpu.memref_squeeze %dma_start3A_34 : memref<1x82x128xi32, #tpu.memory_space<hbm>> -> memref<82x128xi32, #tpu.memory_space<hbm>>
      tpu.enqueue_dma source(%dma_start3A_35 : memref<82x128xi32, #tpu.memory_space<hbm>>) target(%arg7 : memref<82x128xi32, #tpu.memory_space<vmem>>) target_semaphore(%run_scoped3A : memref<!tpu.dma_semaphore, #tpu.memory_space<semaphore_mem>>)
      %dma_wait3A = arith.constant 0 : i32
      %dma_wait3A_36 = arith.constant 0 : i32
      %dma_wait3A_37 = tpu.memref_slice %arg3[%add3A, %dma_wait3A, %dma_wait3A_36] : memref<32x82x128xi32, #tpu.memory_space<hbm>> -> memref<1x82x128xi32, #tpu.memory_space<hbm>>
      %dma_wait3A_38 = tpu.memref_squeeze %dma_wait3A_37 : memref<1x82x128xi32, #tpu.memory_space<hbm>> -> memref<82x128xi32, #tpu.memory_space<hbm>>
      %dma_wait3A_39 = arith.constant 0 : i32
      %dma_wait3A_40 = arith.constant 0 : i32
      %dma_wait3A_41 = tpu.memref_slice %arg3[%add3A, %dma_wait3A_39, %dma_wait3A_40] : memref<32x82x128xi32, #tpu.memory_space<hbm>> -> memref<1x82x128xi32, #tpu.memory_space<hbm>>
      %dma_wait3A_42 = tpu.memref_squeeze %dma_wait3A_41 : memref<1x82x128xi32, #tpu.memory_space<hbm>> -> memref<82x128xi32, #tpu.memory_space<hbm>>
      tpu.wait_dma2 semaphore(%run_scoped3A : memref<!tpu.dma_semaphore, #tpu.memory_space<semaphore_mem>>) src(%dma_wait3A_42 : memref<82x128xi32, #tpu.memory_space<hbm>>) dst(%arg7 : memref<82x128xi32, #tpu.memory_space<vmem>>)
      tpu.yield
    }) : () -> ()
    "tpu.region"() ({
      %run_scoped3A = tpu.sem_alloc : memref<!tpu.dma_semaphore, #tpu.memory_space<semaphore_mem>>
      %dma_start3A = arith.constant 0 : i32
      %dma_start3A_29 = arith.constant 0 : i32
      %dma_start3A_30 = tpu.memref_slice %arg4[%add3A, %dma_start3A, %dma_start3A_29] : memref<32x82x128xi32, #tpu.memory_space<hbm>> -> memref<1x82x128xi32, #tpu.memory_space<hbm>>
      %dma_start3A_31 = tpu.memref_squeeze %dma_start3A_30 : memref<1x82x128xi32, #tpu.memory_space<hbm>> -> memref<82x128xi32, #tpu.memory_space<hbm>>
      %dma_start3A_32 = arith.constant 0 : i32
      %dma_start3A_33 = arith.constant 0 : i32
      %dma_start3A_34 = tpu.memref_slice %arg4[%add3A, %dma_start3A_32, %dma_start3A_33] : memref<32x82x128xi32, #tpu.memory_space<hbm>> -> memref<1x82x128xi32, #tpu.memory_space<hbm>>
      %dma_start3A_35 = tpu.memref_squeeze %dma_start3A_34 : memref<1x82x128xi32, #tpu.memory_space<hbm>> -> memref<82x128xi32, #tpu.memory_space<hbm>>
      tpu.enqueue_dma source(%dma_start3A_35 : memref<82x128xi32, #tpu.memory_space<hbm>>) target(%arg8 : memref<82x128xi32, #tpu.memory_space<vmem>>) target_semaphore(%run_scoped3A : memref<!tpu.dma_semaphore, #tpu.memory_space<semaphore_mem>>)
      %dma_wait3A = arith.constant 0 : i32
      %dma_wait3A_36 = arith.constant 0 : i32
      %dma_wait3A_37 = tpu.memref_slice %arg4[%add3A, %dma_wait3A, %dma_wait3A_36] : memref<32x82x128xi32, #tpu.memory_space<hbm>> -> memref<1x82x128xi32, #tpu.memory_space<hbm>>
      %dma_wait3A_38 = tpu.memref_squeeze %dma_wait3A_37 : memref<1x82x128xi32, #tpu.memory_space<hbm>> -> memref<82x128xi32, #tpu.memory_space<hbm>>
      %dma_wait3A_39 = arith.constant 0 : i32
      %dma_wait3A_40 = arith.constant 0 : i32
      %dma_wait3A_41 = tpu.memref_slice %arg4[%add3A, %dma_wait3A_39, %dma_wait3A_40] : memref<32x82x128xi32, #tpu.memory_space<hbm>> -> memref<1x82x128xi32, #tpu.memory_space<hbm>>
      %dma_wait3A_42 = tpu.memref_squeeze %dma_wait3A_41 : memref<1x82x128xi32, #tpu.memory_space<hbm>> -> memref<82x128xi32, #tpu.memory_space<hbm>>
      tpu.wait_dma2 semaphore(%run_scoped3A : memref<!tpu.dma_semaphore, #tpu.memory_space<semaphore_mem>>) src(%dma_wait3A_42 : memref<82x128xi32, #tpu.memory_space<hbm>>) dst(%arg8 : memref<82x128xi32, #tpu.memory_space<vmem>>)
      tpu.yield
    }) : () -> ()
    %barrier3A = arith.constant 0 : index
    tpu.barrier barrier_id(%barrier3A)
    %eq3A_9 = arith.constant 0 : i32
    %eq3A_10 = arith.cmpi eq, %arg0, %eq3A_9 : i32
    %jit3A = arith.constant 75 : i32
    %jit3A_11 = arith.constant 82 : i32
    %select_n3A = arith.select %eq3A_10, %jit3A, %jit3A_11 : i32
    %sub3A = arith.constant 0 : i32
    %sub3A_12 = arith.subi %select_n3A, %sub3A : i32
    %sub3A_13 = arith.constant 1 : i32
    %sub3A_14 = arith.constant 1 : i32
    %sub3A_15 = arith.subi %sub3A_13, %sub3A_14 : i32
    %add3A_16 = arith.addi %sub3A_12, %sub3A_15 : i32
    %div3A = arith.constant 1 : i32
    %div3A_17 = arith.divsi %add3A_16, %div3A : i32
    %while3A = arith.constant 1 : i32
    %while3A_18 = arith.constant 0 : i32
    %while3A_19 = arith.constant 0 : i32
    %while3A_20 = arith.subi %div3A_17, %while3A_19 : i32
    %while3A_21 = arith.addi %while3A_19, %while3A_20 : i32
    %while3A_22 = arith.constant 1 : i32
    %while3A_23 = arith.divsi %while3A_20, %while3A_22 : i32
    %while3A_24 = arith.muli %while3A_23, %while3A_22 : i32
    %while3A_25 = arith.addi %while3A_19, %while3A_24 : i32
    %while3A_26 = arith.constant 1 : i32
    scf.for %while3A_29 = %while3A_19 to %while3A_25 step %while3A_26  : i32 {
      %mul3A_30 = arith.muli %while3A_29, %while3A : i32
      %add3A_31 = arith.addi %while3A_18, %mul3A_30 : i32
      %dma_start3A = arith.constant 0 : i32
      %dma_start3A_32 = tpu.memref_slice %arg7[%add3A_31, %dma_start3A] : memref<82x128xi32, #tpu.memory_space<vmem>> -> memref<1x128xi32, #tpu.memory_space<vmem>>
      %dma_start3A_33 = tpu.memref_squeeze %dma_start3A_32 : memref<1x128xi32, #tpu.memory_space<vmem>> -> memref<128xi32, #tpu.memory_space<vmem>>
      %dma_start3A_34 = arith.constant 0 : i32
      %dma_start3A_35 = arith.constant 0 : i32
      %dma_start3A_36 = tpu.memref_slice %arg2[%dma_start3A_34, %dma_start3A_35] : memref<10240x128xf32, #tpu.memory_space<hbm>> -> memref<10240x128xf32, #tpu.memory_space<hbm>>
      tpu.enqueue_indirect_dma source(%dma_start3A_36 : memref<10240x128xf32, #tpu.memory_space<hbm>>) target(%arg9 : memref<128x128xf32, #tpu.memory_space<vmem>>) offsets(%dma_start3A_33 : memref<128xi32, #tpu.memory_space<vmem>>) semaphore(%arg11 : memref<!tpu.dma_semaphore, #tpu.memory_space<semaphore_mem>>)
      %dma_wait3A = arith.constant 0 : i32
      %dma_wait3A_37 = tpu.memref_slice %arg7[%add3A_31, %dma_wait3A] : memref<82x128xi32, #tpu.memory_space<vmem>> -> memref<1x128xi32, #tpu.memory_space<vmem>>
      %dma_wait3A_38 = tpu.memref_squeeze %dma_wait3A_37 : memref<1x128xi32, #tpu.memory_space<vmem>> -> memref<128xi32, #tpu.memory_space<vmem>>
      %dma_wait3A_39 = arith.constant 0 : i32
      %dma_wait3A_40 = arith.constant 0 : i32
      %dma_wait3A_41 = tpu.memref_slice %arg2[%dma_wait3A_39, %dma_wait3A_40] : memref<10240x128xf32, #tpu.memory_space<hbm>> -> memref<10240x128xf32, #tpu.memory_space<hbm>>
      tpu.wait_indirect_dma semaphore(%arg11 : memref<!tpu.dma_semaphore, #tpu.memory_space<semaphore_mem>>) src(%dma_wait3A_41 : memref<10240x128xf32, #tpu.memory_space<hbm>>) dst(%arg9 : memref<128x128xf32, #tpu.memory_space<vmem>>)
      "tpu.region"() ({
        %run_scoped3A = tpu.sem_alloc : memref<!tpu.dma_semaphore, #tpu.memory_space<semaphore_mem>>
        %dma_start3A_42 = arith.constant 0 : i32
        %dma_start3A_43 = tpu.memref_slice %arg8[%add3A_31, %dma_start3A_42] : memref<82x128xi32, #tpu.memory_space<vmem>> -> memref<1x128xi32, #tpu.memory_space<vmem>>
        %dma_start3A_44 = tpu.memref_squeeze %dma_start3A_43 : memref<1x128xi32, #tpu.memory_space<vmem>> -> memref<128xi32, #tpu.memory_space<vmem>>
        %dma_start3A_45 = arith.constant 0 : i32
        %dma_start3A_46 = arith.constant 0 : i32
        %dma_start3A_47 = tpu.memref_slice %arg10[%dma_start3A_45, %dma_start3A_46] : memref<10240x128xf32, #tpu.memory_space<vmem_shared>> -> memref<10240x128xf32, #tpu.memory_space<vmem_shared>>
        tpu.enqueue_indirect_dma source(%arg9 : memref<128x128xf32, #tpu.memory_space<vmem>>) target(%dma_start3A_47 : memref<10240x128xf32, #tpu.memory_space<vmem_shared>>) offsets(%dma_start3A_44 : memref<128xi32, #tpu.memory_space<vmem>>) semaphore(%run_scoped3A : memref<!tpu.dma_semaphore, #tpu.memory_space<semaphore_mem>>) {add = true}
        %dma_wait3A_48 = arith.constant 0 : i32
        %dma_wait3A_49 = tpu.memref_slice %arg8[%add3A_31, %dma_wait3A_48] : memref<82x128xi32, #tpu.memory_space<vmem>> -> memref<1x128xi32, #tpu.memory_space<vmem>>
        %dma_wait3A_50 = tpu.memref_squeeze %dma_wait3A_49 : memref<1x128xi32, #tpu.memory_space<vmem>> -> memref<128xi32, #tpu.memory_space<vmem>>
        %dma_wait3A_51 = arith.constant 0 : i32
        %dma_wait3A_52 = arith.constant 0 : i32
        %dma_wait3A_53 = tpu.memref_slice %arg10[%dma_wait3A_51, %dma_wait3A_52] : memref<10240x128xf32, #tpu.memory_space<vmem_shared>> -> memref<10240x128xf32, #tpu.memory_space<vmem_shared>>
        tpu.wait_indirect_dma semaphore(%run_scoped3A : memref<!tpu.dma_semaphore, #tpu.memory_space<semaphore_mem>>) src(%arg9 : memref<128x128xf32, #tpu.memory_space<vmem>>) dst(%dma_wait3A_53 : memref<10240x128xf32, #tpu.memory_space<vmem_shared>>)
        tpu.yield
      }) : () -> ()
    }
    %while3A_27 = arith.constant 1 : i32
    scf.for %while3A_29 = %while3A_25 to %while3A_21 step %while3A_27  : i32 {
      %mul3A_30 = arith.muli %while3A_29, %while3A : i32
      %add3A_31 = arith.addi %while3A_18, %mul3A_30 : i32
      %dma_start3A = arith.constant 0 : i32
      %dma_start3A_32 = tpu.memref_slice %arg7[%add3A_31, %dma_start3A] : memref<82x128xi32, #tpu.memory_space<vmem>> -> memref<1x128xi32, #tpu.memory_space<vmem>>
      %dma_start3A_33 = tpu.memref_squeeze %dma_start3A_32 : memref<1x128xi32, #tpu.memory_space<vmem>> -> memref<128xi32, #tpu.memory_space<vmem>>
      %dma_start3A_34 = arith.constant 0 : i32
      %dma_start3A_35 = arith.constant 0 : i32
      %dma_start3A_36 = tpu.memref_slice %arg2[%dma_start3A_34, %dma_start3A_35] : memref<10240x128xf32, #tpu.memory_space<hbm>> -> memref<10240x128xf32, #tpu.memory_space<hbm>>
      tpu.enqueue_indirect_dma source(%dma_start3A_36 : memref<10240x128xf32, #tpu.memory_space<hbm>>) target(%arg9 : memref<128x128xf32, #tpu.memory_space<vmem>>) offsets(%dma_start3A_33 : memref<128xi32, #tpu.memory_space<vmem>>) semaphore(%arg11 : memref<!tpu.dma_semaphore, #tpu.memory_space<semaphore_mem>>)
      %dma_wait3A = arith.constant 0 : i32
      %dma_wait3A_37 = tpu.memref_slice %arg7[%add3A_31, %dma_wait3A] : memref<82x128xi32, #tpu.memory_space<vmem>> -> memref<1x128xi32, #tpu.memory_space<vmem>>
      %dma_wait3A_38 = tpu.memref_squeeze %dma_wait3A_37 : memref<1x128xi32, #tpu.memory_space<vmem>> -> memref<128xi32, #tpu.memory_space<vmem>>
      %dma_wait3A_39 = arith.constant 0 : i32
      %dma_wait3A_40 = arith.constant 0 : i32
      %dma_wait3A_41 = tpu.memref_slice %arg2[%dma_wait3A_39, %dma_wait3A_40] : memref<10240x128xf32, #tpu.memory_space<hbm>> -> memref<10240x128xf32, #tpu.memory_space<hbm>>
      tpu.wait_indirect_dma semaphore(%arg11 : memref<!tpu.dma_semaphore, #tpu.memory_space<semaphore_mem>>) src(%dma_wait3A_41 : memref<10240x128xf32, #tpu.memory_space<hbm>>) dst(%arg9 : memref<128x128xf32, #tpu.memory_space<vmem>>)
      "tpu.region"() ({
        %run_scoped3A = tpu.sem_alloc : memref<!tpu.dma_semaphore, #tpu.memory_space<semaphore_mem>>
        %dma_start3A_42 = arith.constant 0 : i32
        %dma_start3A_43 = tpu.memref_slice %arg8[%add3A_31, %dma_start3A_42] : memref<82x128xi32, #tpu.memory_space<vmem>> -> memref<1x128xi32, #tpu.memory_space<vmem>>
        %dma_start3A_44 = tpu.memref_squeeze %dma_start3A_43 : memref<1x128xi32, #tpu.memory_space<vmem>> -> memref<128xi32, #tpu.memory_space<vmem>>
        %dma_start3A_45 = arith.constant 0 : i32
        %dma_start3A_46 = arith.constant 0 : i32
        %dma_start3A_47 = tpu.memref_slice %arg10[%dma_start3A_45, %dma_start3A_46] : memref<10240x128xf32, #tpu.memory_space<vmem_shared>> -> memref<10240x128xf32, #tpu.memory_space<vmem_shared>>
        tpu.enqueue_indirect_dma source(%arg9 : memref<128x128xf32, #tpu.memory_space<vmem>>) target(%dma_start3A_47 : memref<10240x128xf32, #tpu.memory_space<vmem_shared>>) offsets(%dma_start3A_44 : memref<128xi32, #tpu.memory_space<vmem>>) semaphore(%run_scoped3A : memref<!tpu.dma_semaphore, #tpu.memory_space<semaphore_mem>>) {add = true}
        %dma_wait3A_48 = arith.constant 0 : i32
        %dma_wait3A_49 = tpu.memref_slice %arg8[%add3A_31, %dma_wait3A_48] : memref<82x128xi32, #tpu.memory_space<vmem>> -> memref<1x128xi32, #tpu.memory_space<vmem>>
        %dma_wait3A_50 = tpu.memref_squeeze %dma_wait3A_49 : memref<1x128xi32, #tpu.memory_space<vmem>> -> memref<128xi32, #tpu.memory_space<vmem>>
        %dma_wait3A_51 = arith.constant 0 : i32
        %dma_wait3A_52 = arith.constant 0 : i32
        %dma_wait3A_53 = tpu.memref_slice %arg10[%dma_wait3A_51, %dma_wait3A_52] : memref<10240x128xf32, #tpu.memory_space<vmem_shared>> -> memref<10240x128xf32, #tpu.memory_space<vmem_shared>>
        tpu.wait_indirect_dma semaphore(%run_scoped3A : memref<!tpu.dma_semaphore, #tpu.memory_space<semaphore_mem>>) src(%arg9 : memref<128x128xf32, #tpu.memory_space<vmem>>) dst(%dma_wait3A_53 : memref<10240x128xf32, #tpu.memory_space<vmem_shared>>)
        tpu.yield
      }) : () -> ()
    }
    %barrier3A_28 = arith.constant 0 : index
    tpu.barrier barrier_id(%barrier3A_28)
    "tpu.region"() ({
      %run_scoped3A = tpu.sem_alloc : memref<!tpu.dma_semaphore, #tpu.memory_space<semaphore_mem>>
      %dma_start3A = arith.constant 0 : i32
      %dma_start3A_29 = tpu.memref_slice %arg6[%arg0, %mul3A_2, %dma_start3A] : memref<2x10240x128xf32, #tpu.memory_space<hbm>> -> memref<1x640x128xf32, #tpu.memory_space<hbm>>
      %dma_start3A_30 = tpu.memref_squeeze %dma_start3A_29 : memref<1x640x128xf32, #tpu.memory_space<hbm>> -> memref<640x128xf32, #tpu.memory_space<hbm>>
      %dma_start3A_31 = arith.constant 0 : i32
      %dma_start3A_32 = tpu.memref_slice %arg10[%mul3A_2, %dma_start3A_31] : memref<10240x128xf32, #tpu.memory_space<vmem_shared>> -> memref<640x128xf32, #tpu.memory_space<vmem_shared>>
      tpu.enqueue_dma source(%dma_start3A_32 : memref<640x128xf32, #tpu.memory_space<vmem_shared>>) target(%dma_start3A_30 : memref<640x128xf32, #tpu.memory_space<hbm>>) target_semaphore(%run_scoped3A : memref<!tpu.dma_semaphore, #tpu.memory_space<semaphore_mem>>)
      %dma_wait3A = arith.constant 0 : i32
      %dma_wait3A_33 = tpu.memref_slice %arg6[%arg0, %mul3A_2, %dma_wait3A] : memref<2x10240x128xf32, #tpu.memory_space<hbm>> -> memref<1x640x128xf32, #tpu.memory_space<hbm>>
      %dma_wait3A_34 = tpu.memref_squeeze %dma_wait3A_33 : memref<1x640x128xf32, #tpu.memory_space<hbm>> -> memref<640x128xf32, #tpu.memory_space<hbm>>
      %dma_wait3A_35 = arith.constant 0 : i32
      %dma_wait3A_36 = tpu.memref_slice %arg10[%mul3A_2, %dma_wait3A_35] : memref<10240x128xf32, #tpu.memory_space<vmem_shared>> -> memref<640x128xf32, #tpu.memory_space<vmem_shared>>
      tpu.wait_dma2 semaphore(%run_scoped3A : memref<!tpu.dma_semaphore, #tpu.memory_space<semaphore_mem>>) src(%dma_wait3A_36 : memref<640x128xf32, #tpu.memory_space<vmem_shared>>) dst(%dma_wait3A_34 : memref<640x128xf32, #tpu.memory_space<hbm>>)
      tpu.yield
    }) : () -> ()
    return
  }
}

#map = affine_map<(d0, d1) -> (0, 0, 0)>
#map1 = affine_map<(d0, d1) -> (0, 0)>
module attributes {stable_mosaic.version = 14 : i64} {
  func.func @deg_kernel(%arg0: i32, %arg1: i32, %arg2: memref<32x79x128xi32, #tpu.memory_space<hbm>>, %arg3: memref<10240x128xf32, #tpu.memory_space<hbm>>, %arg4: memref<10240x128xf32, #tpu.memory_space<hbm>>, %arg5: memref<2x10240x128xf32, #tpu.memory_space<hbm>>, %arg6: memref<79x128xi32, #tpu.memory_space<vmem>>, %arg7: memref<128x128xf32, #tpu.memory_space<vmem>>, %arg8: memref<10240x128xf32, #tpu.memory_space<vmem_shared>>, %arg9: memref<!tpu.dma_semaphore, #tpu.memory_space<semaphore_mem>>, %arg10: memref<!tpu.dma_semaphore, #tpu.memory_space<semaphore_mem>>, %arg11: memref<!tpu.dma_semaphore, #tpu.memory_space<semaphore_mem>>, %arg12: memref<!tpu.dma_semaphore, #tpu.memory_space<semaphore_mem>>) attributes {dimension_semantics = [#tpu.dimension_semantics<core_parallel>, #tpu.dimension_semantics<subcore_parallel>], iteration_bounds = array<i64: 2, 16>, scalar_prefetch = 0 : i64, scratch_operands = 7 : i64, tpu.core_type = #tpu.core_type<sc_vector_subcore>, window_params = [{transform_indices = #map}, {transform_indices = #map1}, {transform_indices = #map1}, {transform_indices = #map}]} {
    %mul3A = arith.constant 2 : i32
    %mul3A_0 = arith.muli %arg1, %mul3A : i32
    %add3A = arith.addi %mul3A_0, %arg0 : i32
    %mul3A_1 = arith.constant 640 : i32
    %mul3A_2 = arith.muli %arg1, %mul3A_1 : i32
    %eq3A = arith.constant 0 : i32
    %eq3A_3 = arith.cmpi eq, %arg0, %eq3A : i32
    %convert_element_type3A = arith.extui %eq3A_3 : i1 to i32
    %cond3A = arith.constant 0 : i32
    %cond3A_4 = arith.cmpi ne, %convert_element_type3A, %cond3A : i32
    scf.if %cond3A_4 {
      "tpu.region"() ({
        %run_scoped3A = tpu.sem_alloc : memref<!tpu.dma_semaphore, #tpu.memory_space<semaphore_mem>>
        %dma_start3A = arith.constant 0 : i32
        %dma_start3A_19 = tpu.memref_slice %arg8[%mul3A_2, %dma_start3A] : memref<10240x128xf32, #tpu.memory_space<vmem_shared>> -> memref<640x128xf32, #tpu.memory_space<vmem_shared>>
        %dma_start3A_20 = arith.constant 0 : i32
        %dma_start3A_21 = tpu.memref_slice %arg3[%mul3A_2, %dma_start3A_20] : memref<10240x128xf32, #tpu.memory_space<hbm>> -> memref<640x128xf32, #tpu.memory_space<hbm>>
        tpu.enqueue_dma source(%dma_start3A_21 : memref<640x128xf32, #tpu.memory_space<hbm>>) target(%dma_start3A_19 : memref<640x128xf32, #tpu.memory_space<vmem_shared>>) target_semaphore(%run_scoped3A : memref<!tpu.dma_semaphore, #tpu.memory_space<semaphore_mem>>)
        %dma_wait3A = arith.constant 0 : i32
        %dma_wait3A_22 = tpu.memref_slice %arg8[%mul3A_2, %dma_wait3A] : memref<10240x128xf32, #tpu.memory_space<vmem_shared>> -> memref<640x128xf32, #tpu.memory_space<vmem_shared>>
        %dma_wait3A_23 = arith.constant 0 : i32
        %dma_wait3A_24 = tpu.memref_slice %arg3[%mul3A_2, %dma_wait3A_23] : memref<10240x128xf32, #tpu.memory_space<hbm>> -> memref<640x128xf32, #tpu.memory_space<hbm>>
        tpu.wait_dma2 semaphore(%run_scoped3A : memref<!tpu.dma_semaphore, #tpu.memory_space<semaphore_mem>>) src(%dma_wait3A_24 : memref<640x128xf32, #tpu.memory_space<hbm>>) dst(%dma_wait3A_22 : memref<640x128xf32, #tpu.memory_space<vmem_shared>>)
        tpu.yield
      }) : () -> ()
    } else {
    }
    %ne3A = arith.constant 0 : i32
    %ne3A_5 = arith.cmpi ne, %arg0, %ne3A : i32
    %convert_element_type3A_6 = arith.extui %ne3A_5 : i1 to i32
    %cond3A_7 = arith.constant 0 : i32
    %cond3A_8 = arith.cmpi ne, %convert_element_type3A_6, %cond3A_7 : i32
    scf.if %cond3A_8 {
      "tpu.region"() ({
        %run_scoped3A = tpu.sem_alloc : memref<!tpu.dma_semaphore, #tpu.memory_space<semaphore_mem>>
        %dma_start3A = arith.constant 0 : i32
        %dma_start3A_19 = tpu.memref_slice %arg8[%mul3A_2, %dma_start3A] : memref<10240x128xf32, #tpu.memory_space<vmem_shared>> -> memref<640x128xf32, #tpu.memory_space<vmem_shared>>
        %dma_start3A_20 = arith.constant 0 : i32
        %dma_start3A_21 = tpu.memref_slice %arg4[%mul3A_2, %dma_start3A_20] : memref<10240x128xf32, #tpu.memory_space<hbm>> -> memref<640x128xf32, #tpu.memory_space<hbm>>
        tpu.enqueue_dma source(%dma_start3A_21 : memref<640x128xf32, #tpu.memory_space<hbm>>) target(%dma_start3A_19 : memref<640x128xf32, #tpu.memory_space<vmem_shared>>) target_semaphore(%run_scoped3A : memref<!tpu.dma_semaphore, #tpu.memory_space<semaphore_mem>>)
        %dma_wait3A = arith.constant 0 : i32
        %dma_wait3A_22 = tpu.memref_slice %arg8[%mul3A_2, %dma_wait3A] : memref<10240x128xf32, #tpu.memory_space<vmem_shared>> -> memref<640x128xf32, #tpu.memory_space<vmem_shared>>
        %dma_wait3A_23 = arith.constant 0 : i32
        %dma_wait3A_24 = tpu.memref_slice %arg4[%mul3A_2, %dma_wait3A_23] : memref<10240x128xf32, #tpu.memory_space<hbm>> -> memref<640x128xf32, #tpu.memory_space<hbm>>
        tpu.wait_dma2 semaphore(%run_scoped3A : memref<!tpu.dma_semaphore, #tpu.memory_space<semaphore_mem>>) src(%dma_wait3A_24 : memref<640x128xf32, #tpu.memory_space<hbm>>) dst(%dma_wait3A_22 : memref<640x128xf32, #tpu.memory_space<vmem_shared>>)
        tpu.yield
      }) : () -> ()
    } else {
    }
    "tpu.region"() ({
      %run_scoped3A = tpu.sem_alloc : memref<!tpu.dma_semaphore, #tpu.memory_space<semaphore_mem>>
      %dma_start3A = arith.constant 0 : i32
      %dma_start3A_19 = arith.constant 0 : i32
      %dma_start3A_20 = tpu.memref_slice %arg3[%dma_start3A, %dma_start3A_19] : memref<10240x128xf32, #tpu.memory_space<hbm>> -> memref<128x128xf32, #tpu.memory_space<hbm>>
      %dma_start3A_21 = arith.constant 0 : i32
      %dma_start3A_22 = arith.constant 0 : i32
      %dma_start3A_23 = tpu.memref_slice %arg3[%dma_start3A_21, %dma_start3A_22] : memref<10240x128xf32, #tpu.memory_space<hbm>> -> memref<128x128xf32, #tpu.memory_space<hbm>>
      tpu.enqueue_dma source(%dma_start3A_23 : memref<128x128xf32, #tpu.memory_space<hbm>>) target(%arg7 : memref<128x128xf32, #tpu.memory_space<vmem>>) target_semaphore(%run_scoped3A : memref<!tpu.dma_semaphore, #tpu.memory_space<semaphore_mem>>)
      %dma_wait3A = arith.constant 0 : i32
      %dma_wait3A_24 = arith.constant 0 : i32
      %dma_wait3A_25 = tpu.memref_slice %arg3[%dma_wait3A, %dma_wait3A_24] : memref<10240x128xf32, #tpu.memory_space<hbm>> -> memref<128x128xf32, #tpu.memory_space<hbm>>
      %dma_wait3A_26 = arith.constant 0 : i32
      %dma_wait3A_27 = arith.constant 0 : i32
      %dma_wait3A_28 = tpu.memref_slice %arg3[%dma_wait3A_26, %dma_wait3A_27] : memref<10240x128xf32, #tpu.memory_space<hbm>> -> memref<128x128xf32, #tpu.memory_space<hbm>>
      tpu.wait_dma2 semaphore(%run_scoped3A : memref<!tpu.dma_semaphore, #tpu.memory_space<semaphore_mem>>) src(%dma_wait3A_28 : memref<128x128xf32, #tpu.memory_space<hbm>>) dst(%arg7 : memref<128x128xf32, #tpu.memory_space<vmem>>)
      tpu.yield
    }) : () -> ()
    "tpu.region"() ({
      %run_scoped3A = tpu.sem_alloc : memref<!tpu.dma_semaphore, #tpu.memory_space<semaphore_mem>>
      %dma_start3A = arith.constant 0 : i32
      %dma_start3A_19 = arith.constant 0 : i32
      %dma_start3A_20 = tpu.memref_slice %arg2[%add3A, %dma_start3A, %dma_start3A_19] : memref<32x79x128xi32, #tpu.memory_space<hbm>> -> memref<1x79x128xi32, #tpu.memory_space<hbm>>
      %dma_start3A_21 = tpu.memref_squeeze %dma_start3A_20 : memref<1x79x128xi32, #tpu.memory_space<hbm>> -> memref<79x128xi32, #tpu.memory_space<hbm>>
      %dma_start3A_22 = arith.constant 0 : i32
      %dma_start3A_23 = arith.constant 0 : i32
      %dma_start3A_24 = tpu.memref_slice %arg2[%add3A, %dma_start3A_22, %dma_start3A_23] : memref<32x79x128xi32, #tpu.memory_space<hbm>> -> memref<1x79x128xi32, #tpu.memory_space<hbm>>
      %dma_start3A_25 = tpu.memref_squeeze %dma_start3A_24 : memref<1x79x128xi32, #tpu.memory_space<hbm>> -> memref<79x128xi32, #tpu.memory_space<hbm>>
      tpu.enqueue_dma source(%dma_start3A_25 : memref<79x128xi32, #tpu.memory_space<hbm>>) target(%arg6 : memref<79x128xi32, #tpu.memory_space<vmem>>) target_semaphore(%run_scoped3A : memref<!tpu.dma_semaphore, #tpu.memory_space<semaphore_mem>>)
      %dma_wait3A = arith.constant 0 : i32
      %dma_wait3A_26 = arith.constant 0 : i32
      %dma_wait3A_27 = tpu.memref_slice %arg2[%add3A, %dma_wait3A, %dma_wait3A_26] : memref<32x79x128xi32, #tpu.memory_space<hbm>> -> memref<1x79x128xi32, #tpu.memory_space<hbm>>
      %dma_wait3A_28 = tpu.memref_squeeze %dma_wait3A_27 : memref<1x79x128xi32, #tpu.memory_space<hbm>> -> memref<79x128xi32, #tpu.memory_space<hbm>>
      %dma_wait3A_29 = arith.constant 0 : i32
      %dma_wait3A_30 = arith.constant 0 : i32
      %dma_wait3A_31 = tpu.memref_slice %arg2[%add3A, %dma_wait3A_29, %dma_wait3A_30] : memref<32x79x128xi32, #tpu.memory_space<hbm>> -> memref<1x79x128xi32, #tpu.memory_space<hbm>>
      %dma_wait3A_32 = tpu.memref_squeeze %dma_wait3A_31 : memref<1x79x128xi32, #tpu.memory_space<hbm>> -> memref<79x128xi32, #tpu.memory_space<hbm>>
      tpu.wait_dma2 semaphore(%run_scoped3A : memref<!tpu.dma_semaphore, #tpu.memory_space<semaphore_mem>>) src(%dma_wait3A_32 : memref<79x128xi32, #tpu.memory_space<hbm>>) dst(%arg6 : memref<79x128xi32, #tpu.memory_space<vmem>>)
      tpu.yield
    }) : () -> ()
    %barrier3A = arith.constant 0 : index
    tpu.barrier barrier_id(%barrier3A)
    %scan3A = arith.constant 0 : i32
    %scan3A_9 = arith.constant 79 : i32
    %scan3A_10 = arith.addi %scan3A, %scan3A_9 : i32
    %scan3A_11 = arith.constant 1 : i32
    scf.for %scan3A_19 = %scan3A to %scan3A_10 step %scan3A_11  : i32 {
      %mul3A_20 = arith.constant 1 : i32
      %mul3A_21 = arith.muli %scan3A_19, %mul3A_20 : i32
      %add3A_22 = arith.constant 0 : i32
      %add3A_23 = arith.addi %add3A_22, %mul3A_21 : i32
      %jit3A = arith.constant 4 : i32
      %eq3A_24 = arith.constant 0 : i32
      %eq3A_25 = arith.cmpi eq, %jit3A, %eq3A_24 : i32
      %jit3A_26 = arith.constant 1 : i32
      %select_n3A = arith.select %eq3A_25, %jit3A_26, %jit3A : i32
      %rem3A = arith.remsi %add3A_23, %select_n3A : i32
      %ne3A_27 = arith.constant 0 : i32
      %ne3A_28 = arith.cmpi ne, %rem3A, %ne3A_27 : i32
      %lt3A = arith.constant 0 : i32
      %lt3A_29 = arith.cmpi slt, %rem3A, %lt3A : i32
      %lt3A_30 = arith.constant 0 : i32
      %lt3A_31 = arith.cmpi slt, %select_n3A, %lt3A_30 : i32
      %ne3A_32 = arith.xori %lt3A_29, %lt3A_31 : i1
      %and3A = arith.andi %ne3A_32, %ne3A_28 : i1
      %add3A_33 = arith.addi %rem3A, %select_n3A : i32
      %select_n3A_34 = arith.select %and3A, %add3A_33, %rem3A : i32
      %eq3A_35 = arith.constant 0 : i32
      %eq3A_36 = arith.cmpi eq, %select_n3A_34, %eq3A_35 : i32
      %convert_element_type3A_37 = arith.extui %eq3A_36 : i1 to i32
      %cond3A_38 = arith.constant 0 : i32
      %cond3A_39 = arith.cmpi ne, %convert_element_type3A_37, %cond3A_38 : i32
      scf.if %cond3A_39 {
        %dma_start3A = arith.constant 0 : i32
        %dma_start3A_107 = tpu.memref_slice %arg6[%add3A_23, %dma_start3A] : memref<79x128xi32, #tpu.memory_space<vmem>> -> memref<1x128xi32, #tpu.memory_space<vmem>>
        %dma_start3A_108 = tpu.memref_squeeze %dma_start3A_107 : memref<1x128xi32, #tpu.memory_space<vmem>> -> memref<128xi32, #tpu.memory_space<vmem>>
        %dma_start3A_109 = arith.constant 0 : i32
        %dma_start3A_110 = arith.constant 0 : i32
        %dma_start3A_111 = tpu.memref_slice %arg8[%dma_start3A_109, %dma_start3A_110] : memref<10240x128xf32, #tpu.memory_space<vmem_shared>> -> memref<10240x128xf32, #tpu.memory_space<vmem_shared>>
        tpu.enqueue_indirect_dma source(%arg7 : memref<128x128xf32, #tpu.memory_space<vmem>>) target(%dma_start3A_111 : memref<10240x128xf32, #tpu.memory_space<vmem_shared>>) offsets(%dma_start3A_108 : memref<128xi32, #tpu.memory_space<vmem>>) semaphore(%arg9 : memref<!tpu.dma_semaphore, #tpu.memory_space<semaphore_mem>>) {add = true}
      } else {
      }
      %jit3A_40 = arith.constant 4 : i32
      %eq3A_41 = arith.constant 0 : i32
      %eq3A_42 = arith.cmpi eq, %jit3A_40, %eq3A_41 : i32
      %jit3A_43 = arith.constant 1 : i32
      %select_n3A_44 = arith.select %eq3A_42, %jit3A_43, %jit3A_40 : i32
      %rem3A_45 = arith.remsi %add3A_23, %select_n3A_44 : i32
      %ne3A_46 = arith.constant 0 : i32
      %ne3A_47 = arith.cmpi ne, %rem3A_45, %ne3A_46 : i32
      %lt3A_48 = arith.constant 0 : i32
      %lt3A_49 = arith.cmpi slt, %rem3A_45, %lt3A_48 : i32
      %lt3A_50 = arith.constant 0 : i32
      %lt3A_51 = arith.cmpi slt, %select_n3A_44, %lt3A_50 : i32
      %ne3A_52 = arith.xori %lt3A_49, %lt3A_51 : i1
      %and3A_53 = arith.andi %ne3A_52, %ne3A_47 : i1
      %add3A_54 = arith.addi %rem3A_45, %select_n3A_44 : i32
      %select_n3A_55 = arith.select %and3A_53, %add3A_54, %rem3A_45 : i32
      %eq3A_56 = arith.constant 1 : i32
      %eq3A_57 = arith.cmpi eq, %select_n3A_55, %eq3A_56 : i32
      %convert_element_type3A_58 = arith.extui %eq3A_57 : i1 to i32
      %cond3A_59 = arith.constant 0 : i32
      %cond3A_60 = arith.cmpi ne, %convert_element_type3A_58, %cond3A_59 : i32
      scf.if %cond3A_60 {
        %dma_start3A = arith.constant 0 : i32
        %dma_start3A_107 = tpu.memref_slice %arg6[%add3A_23, %dma_start3A] : memref<79x128xi32, #tpu.memory_space<vmem>> -> memref<1x128xi32, #tpu.memory_space<vmem>>
        %dma_start3A_108 = tpu.memref_squeeze %dma_start3A_107 : memref<1x128xi32, #tpu.memory_space<vmem>> -> memref<128xi32, #tpu.memory_space<vmem>>
        %dma_start3A_109 = arith.constant 0 : i32
        %dma_start3A_110 = arith.constant 0 : i32
        %dma_start3A_111 = tpu.memref_slice %arg8[%dma_start3A_109, %dma_start3A_110] : memref<10240x128xf32, #tpu.memory_space<vmem_shared>> -> memref<10240x128xf32, #tpu.memory_space<vmem_shared>>
        tpu.enqueue_indirect_dma source(%arg7 : memref<128x128xf32, #tpu.memory_space<vmem>>) target(%dma_start3A_111 : memref<10240x128xf32, #tpu.memory_space<vmem_shared>>) offsets(%dma_start3A_108 : memref<128xi32, #tpu.memory_space<vmem>>) semaphore(%arg10 : memref<!tpu.dma_semaphore, #tpu.memory_space<semaphore_mem>>) {add = true}
      } else {
      }
      %jit3A_61 = arith.constant 4 : i32
      %eq3A_62 = arith.constant 0 : i32
      %eq3A_63 = arith.cmpi eq, %jit3A_61, %eq3A_62 : i32
      %jit3A_64 = arith.constant 1 : i32
      %select_n3A_65 = arith.select %eq3A_63, %jit3A_64, %jit3A_61 : i32
      %rem3A_66 = arith.remsi %add3A_23, %select_n3A_65 : i32
      %ne3A_67 = arith.constant 0 : i32
      %ne3A_68 = arith.cmpi ne, %rem3A_66, %ne3A_67 : i32
      %lt3A_69 = arith.constant 0 : i32
      %lt3A_70 = arith.cmpi slt, %rem3A_66, %lt3A_69 : i32
      %lt3A_71 = arith.constant 0 : i32
      %lt3A_72 = arith.cmpi slt, %select_n3A_65, %lt3A_71 : i32
      %ne3A_73 = arith.xori %lt3A_70, %lt3A_72 : i1
      %and3A_74 = arith.andi %ne3A_73, %ne3A_68 : i1
      %add3A_75 = arith.addi %rem3A_66, %select_n3A_65 : i32
      %select_n3A_76 = arith.select %and3A_74, %add3A_75, %rem3A_66 : i32
      %eq3A_77 = arith.constant 2 : i32
      %eq3A_78 = arith.cmpi eq, %select_n3A_76, %eq3A_77 : i32
      %convert_element_type3A_79 = arith.extui %eq3A_78 : i1 to i32
      %cond3A_80 = arith.constant 0 : i32
      %cond3A_81 = arith.cmpi ne, %convert_element_type3A_79, %cond3A_80 : i32
      scf.if %cond3A_81 {
        %dma_start3A = arith.constant 0 : i32
        %dma_start3A_107 = tpu.memref_slice %arg6[%add3A_23, %dma_start3A] : memref<79x128xi32, #tpu.memory_space<vmem>> -> memref<1x128xi32, #tpu.memory_space<vmem>>
        %dma_start3A_108 = tpu.memref_squeeze %dma_start3A_107 : memref<1x128xi32, #tpu.memory_space<vmem>> -> memref<128xi32, #tpu.memory_space<vmem>>
        %dma_start3A_109 = arith.constant 0 : i32
        %dma_start3A_110 = arith.constant 0 : i32
        %dma_start3A_111 = tpu.memref_slice %arg8[%dma_start3A_109, %dma_start3A_110] : memref<10240x128xf32, #tpu.memory_space<vmem_shared>> -> memref<10240x128xf32, #tpu.memory_space<vmem_shared>>
        tpu.enqueue_indirect_dma source(%arg7 : memref<128x128xf32, #tpu.memory_space<vmem>>) target(%dma_start3A_111 : memref<10240x128xf32, #tpu.memory_space<vmem_shared>>) offsets(%dma_start3A_108 : memref<128xi32, #tpu.memory_space<vmem>>) semaphore(%arg11 : memref<!tpu.dma_semaphore, #tpu.memory_space<semaphore_mem>>) {add = true}
      } else {
      }
      %jit3A_82 = arith.constant 4 : i32
      %eq3A_83 = arith.constant 0 : i32
      %eq3A_84 = arith.cmpi eq, %jit3A_82, %eq3A_83 : i32
      %jit3A_85 = arith.constant 1 : i32
      %select_n3A_86 = arith.select %eq3A_84, %jit3A_85, %jit3A_82 : i32
      %rem3A_87 = arith.remsi %add3A_23, %select_n3A_86 : i32
      %ne3A_88 = arith.constant 0 : i32
      %ne3A_89 = arith.cmpi ne, %rem3A_87, %ne3A_88 : i32
      %lt3A_90 = arith.constant 0 : i32
      %lt3A_91 = arith.cmpi slt, %rem3A_87, %lt3A_90 : i32
      %lt3A_92 = arith.constant 0 : i32
      %lt3A_93 = arith.cmpi slt, %select_n3A_86, %lt3A_92 : i32
      %ne3A_94 = arith.xori %lt3A_91, %lt3A_93 : i1
      %and3A_95 = arith.andi %ne3A_94, %ne3A_89 : i1
      %add3A_96 = arith.addi %rem3A_87, %select_n3A_86 : i32
      %select_n3A_97 = arith.select %and3A_95, %add3A_96, %rem3A_87 : i32
      %eq3A_98 = arith.constant 3 : i32
      %eq3A_99 = arith.cmpi eq, %select_n3A_97, %eq3A_98 : i32
      %convert_element_type3A_100 = arith.extui %eq3A_99 : i1 to i32
      %cond3A_101 = arith.constant 0 : i32
      %cond3A_102 = arith.cmpi ne, %convert_element_type3A_100, %cond3A_101 : i32
      scf.if %cond3A_102 {
        %dma_start3A = arith.constant 0 : i32
        %dma_start3A_107 = tpu.memref_slice %arg6[%add3A_23, %dma_start3A] : memref<79x128xi32, #tpu.memory_space<vmem>> -> memref<1x128xi32, #tpu.memory_space<vmem>>
        %dma_start3A_108 = tpu.memref_squeeze %dma_start3A_107 : memref<1x128xi32, #tpu.memory_space<vmem>> -> memref<128xi32, #tpu.memory_space<vmem>>
        %dma_start3A_109 = arith.constant 0 : i32
        %dma_start3A_110 = arith.constant 0 : i32
        %dma_start3A_111 = tpu.memref_slice %arg8[%dma_start3A_109, %dma_start3A_110] : memref<10240x128xf32, #tpu.memory_space<vmem_shared>> -> memref<10240x128xf32, #tpu.memory_space<vmem_shared>>
        tpu.enqueue_indirect_dma source(%arg7 : memref<128x128xf32, #tpu.memory_space<vmem>>) target(%dma_start3A_111 : memref<10240x128xf32, #tpu.memory_space<vmem_shared>>) offsets(%dma_start3A_108 : memref<128xi32, #tpu.memory_space<vmem>>) semaphore(%arg12 : memref<!tpu.dma_semaphore, #tpu.memory_space<semaphore_mem>>) {add = true}
      } else {
      }
      %ge3A = arith.constant 4 : i32
      %ge3A_103 = arith.cmpi sge, %add3A_23, %ge3A : i32
      %convert_element_type3A_104 = arith.extui %ge3A_103 : i1 to i32
      %cond3A_105 = arith.constant 0 : i32
      %cond3A_106 = arith.cmpi ne, %convert_element_type3A_104, %cond3A_105 : i32
      scf.if %cond3A_106 {
        %jit3A_107 = arith.constant 4 : i32
        %eq3A_108 = arith.constant 0 : i32
        %eq3A_109 = arith.cmpi eq, %jit3A_107, %eq3A_108 : i32
        %jit3A_110 = arith.constant 1 : i32
        %select_n3A_111 = arith.select %eq3A_109, %jit3A_110, %jit3A_107 : i32
        %rem3A_112 = arith.remsi %add3A_23, %select_n3A_111 : i32
        %ne3A_113 = arith.constant 0 : i32
        %ne3A_114 = arith.cmpi ne, %rem3A_112, %ne3A_113 : i32
        %lt3A_115 = arith.constant 0 : i32
        %lt3A_116 = arith.cmpi slt, %rem3A_112, %lt3A_115 : i32
        %lt3A_117 = arith.constant 0 : i32
        %lt3A_118 = arith.cmpi slt, %select_n3A_111, %lt3A_117 : i32
        %ne3A_119 = arith.xori %lt3A_116, %lt3A_118 : i1
        %and3A_120 = arith.andi %ne3A_119, %ne3A_114 : i1
        %add3A_121 = arith.addi %rem3A_112, %select_n3A_111 : i32
        %select_n3A_122 = arith.select %and3A_120, %add3A_121, %rem3A_112 : i32
        %eq3A_123 = arith.constant 0 : i32
        %eq3A_124 = arith.cmpi eq, %select_n3A_122, %eq3A_123 : i32
        %convert_element_type3A_125 = arith.extui %eq3A_124 : i1 to i32
        %cond3A_126 = arith.constant 0 : i32
        %cond3A_127 = arith.cmpi ne, %convert_element_type3A_125, %cond3A_126 : i32
        scf.if %cond3A_127 {
          %sub3A = arith.constant 4 : i32
          %sub3A_191 = arith.subi %add3A_23, %sub3A : i32
          %dma_wait3A = arith.constant 0 : i32
          %dma_wait3A_192 = tpu.memref_slice %arg6[%sub3A_191, %dma_wait3A] : memref<79x128xi32, #tpu.memory_space<vmem>> -> memref<1x128xi32, #tpu.memory_space<vmem>>
          %dma_wait3A_193 = tpu.memref_squeeze %dma_wait3A_192 : memref<1x128xi32, #tpu.memory_space<vmem>> -> memref<128xi32, #tpu.memory_space<vmem>>
          %dma_wait3A_194 = arith.constant 0 : i32
          %dma_wait3A_195 = arith.constant 0 : i32
          %dma_wait3A_196 = tpu.memref_slice %arg8[%dma_wait3A_194, %dma_wait3A_195] : memref<10240x128xf32, #tpu.memory_space<vmem_shared>> -> memref<10240x128xf32, #tpu.memory_space<vmem_shared>>
          tpu.wait_indirect_dma semaphore(%arg9 : memref<!tpu.dma_semaphore, #tpu.memory_space<semaphore_mem>>) src(%arg7 : memref<128x128xf32, #tpu.memory_space<vmem>>) dst(%dma_wait3A_196 : memref<10240x128xf32, #tpu.memory_space<vmem_shared>>)
        } else {
        }
        %jit3A_128 = arith.constant 4 : i32
        %eq3A_129 = arith.constant 0 : i32
        %eq3A_130 = arith.cmpi eq, %jit3A_128, %eq3A_129 : i32
        %jit3A_131 = arith.constant 1 : i32
        %select_n3A_132 = arith.select %eq3A_130, %jit3A_131, %jit3A_128 : i32
        %rem3A_133 = arith.remsi %add3A_23, %select_n3A_132 : i32
        %ne3A_134 = arith.constant 0 : i32
        %ne3A_135 = arith.cmpi ne, %rem3A_133, %ne3A_134 : i32
        %lt3A_136 = arith.constant 0 : i32
        %lt3A_137 = arith.cmpi slt, %rem3A_133, %lt3A_136 : i32
        %lt3A_138 = arith.constant 0 : i32
        %lt3A_139 = arith.cmpi slt, %select_n3A_132, %lt3A_138 : i32
        %ne3A_140 = arith.xori %lt3A_137, %lt3A_139 : i1
        %and3A_141 = arith.andi %ne3A_140, %ne3A_135 : i1
        %add3A_142 = arith.addi %rem3A_133, %select_n3A_132 : i32
        %select_n3A_143 = arith.select %and3A_141, %add3A_142, %rem3A_133 : i32
        %eq3A_144 = arith.constant 1 : i32
        %eq3A_145 = arith.cmpi eq, %select_n3A_143, %eq3A_144 : i32
        %convert_element_type3A_146 = arith.extui %eq3A_145 : i1 to i32
        %cond3A_147 = arith.constant 0 : i32
        %cond3A_148 = arith.cmpi ne, %convert_element_type3A_146, %cond3A_147 : i32
        scf.if %cond3A_148 {
          %sub3A = arith.constant 4 : i32
          %sub3A_191 = arith.subi %add3A_23, %sub3A : i32
          %dma_wait3A = arith.constant 0 : i32
          %dma_wait3A_192 = tpu.memref_slice %arg6[%sub3A_191, %dma_wait3A] : memref<79x128xi32, #tpu.memory_space<vmem>> -> memref<1x128xi32, #tpu.memory_space<vmem>>
          %dma_wait3A_193 = tpu.memref_squeeze %dma_wait3A_192 : memref<1x128xi32, #tpu.memory_space<vmem>> -> memref<128xi32, #tpu.memory_space<vmem>>
          %dma_wait3A_194 = arith.constant 0 : i32
          %dma_wait3A_195 = arith.constant 0 : i32
          %dma_wait3A_196 = tpu.memref_slice %arg8[%dma_wait3A_194, %dma_wait3A_195] : memref<10240x128xf32, #tpu.memory_space<vmem_shared>> -> memref<10240x128xf32, #tpu.memory_space<vmem_shared>>
          tpu.wait_indirect_dma semaphore(%arg10 : memref<!tpu.dma_semaphore, #tpu.memory_space<semaphore_mem>>) src(%arg7 : memref<128x128xf32, #tpu.memory_space<vmem>>) dst(%dma_wait3A_196 : memref<10240x128xf32, #tpu.memory_space<vmem_shared>>)
        } else {
        }
        %jit3A_149 = arith.constant 4 : i32
        %eq3A_150 = arith.constant 0 : i32
        %eq3A_151 = arith.cmpi eq, %jit3A_149, %eq3A_150 : i32
        %jit3A_152 = arith.constant 1 : i32
        %select_n3A_153 = arith.select %eq3A_151, %jit3A_152, %jit3A_149 : i32
        %rem3A_154 = arith.remsi %add3A_23, %select_n3A_153 : i32
        %ne3A_155 = arith.constant 0 : i32
        %ne3A_156 = arith.cmpi ne, %rem3A_154, %ne3A_155 : i32
        %lt3A_157 = arith.constant 0 : i32
        %lt3A_158 = arith.cmpi slt, %rem3A_154, %lt3A_157 : i32
        %lt3A_159 = arith.constant 0 : i32
        %lt3A_160 = arith.cmpi slt, %select_n3A_153, %lt3A_159 : i32
        %ne3A_161 = arith.xori %lt3A_158, %lt3A_160 : i1
        %and3A_162 = arith.andi %ne3A_161, %ne3A_156 : i1
        %add3A_163 = arith.addi %rem3A_154, %select_n3A_153 : i32
        %select_n3A_164 = arith.select %and3A_162, %add3A_163, %rem3A_154 : i32
        %eq3A_165 = arith.constant 2 : i32
        %eq3A_166 = arith.cmpi eq, %select_n3A_164, %eq3A_165 : i32
        %convert_element_type3A_167 = arith.extui %eq3A_166 : i1 to i32
        %cond3A_168 = arith.constant 0 : i32
        %cond3A_169 = arith.cmpi ne, %convert_element_type3A_167, %cond3A_168 : i32
        scf.if %cond3A_169 {
          %sub3A = arith.constant 4 : i32
          %sub3A_191 = arith.subi %add3A_23, %sub3A : i32
          %dma_wait3A = arith.constant 0 : i32
          %dma_wait3A_192 = tpu.memref_slice %arg6[%sub3A_191, %dma_wait3A] : memref<79x128xi32, #tpu.memory_space<vmem>> -> memref<1x128xi32, #tpu.memory_space<vmem>>
          %dma_wait3A_193 = tpu.memref_squeeze %dma_wait3A_192 : memref<1x128xi32, #tpu.memory_space<vmem>> -> memref<128xi32, #tpu.memory_space<vmem>>
          %dma_wait3A_194 = arith.constant 0 : i32
          %dma_wait3A_195 = arith.constant 0 : i32
          %dma_wait3A_196 = tpu.memref_slice %arg8[%dma_wait3A_194, %dma_wait3A_195] : memref<10240x128xf32, #tpu.memory_space<vmem_shared>> -> memref<10240x128xf32, #tpu.memory_space<vmem_shared>>
          tpu.wait_indirect_dma semaphore(%arg11 : memref<!tpu.dma_semaphore, #tpu.memory_space<semaphore_mem>>) src(%arg7 : memref<128x128xf32, #tpu.memory_space<vmem>>) dst(%dma_wait3A_196 : memref<10240x128xf32, #tpu.memory_space<vmem_shared>>)
        } else {
        }
        %jit3A_170 = arith.constant 4 : i32
        %eq3A_171 = arith.constant 0 : i32
        %eq3A_172 = arith.cmpi eq, %jit3A_170, %eq3A_171 : i32
        %jit3A_173 = arith.constant 1 : i32
        %select_n3A_174 = arith.select %eq3A_172, %jit3A_173, %jit3A_170 : i32
        %rem3A_175 = arith.remsi %add3A_23, %select_n3A_174 : i32
        %ne3A_176 = arith.constant 0 : i32
        %ne3A_177 = arith.cmpi ne, %rem3A_175, %ne3A_176 : i32
        %lt3A_178 = arith.constant 0 : i32
        %lt3A_179 = arith.cmpi slt, %rem3A_175, %lt3A_178 : i32
        %lt3A_180 = arith.constant 0 : i32
        %lt3A_181 = arith.cmpi slt, %select_n3A_174, %lt3A_180 : i32
        %ne3A_182 = arith.xori %lt3A_179, %lt3A_181 : i1
        %and3A_183 = arith.andi %ne3A_182, %ne3A_177 : i1
        %add3A_184 = arith.addi %rem3A_175, %select_n3A_174 : i32
        %select_n3A_185 = arith.select %and3A_183, %add3A_184, %rem3A_175 : i32
        %eq3A_186 = arith.constant 3 : i32
        %eq3A_187 = arith.cmpi eq, %select_n3A_185, %eq3A_186 : i32
        %convert_element_type3A_188 = arith.extui %eq3A_187 : i1 to i32
        %cond3A_189 = arith.constant 0 : i32
        %cond3A_190 = arith.cmpi ne, %convert_element_type3A_188, %cond3A_189 : i32
        scf.if %cond3A_190 {
          %sub3A = arith.constant 4 : i32
          %sub3A_191 = arith.subi %add3A_23, %sub3A : i32
          %dma_wait3A = arith.constant 0 : i32
          %dma_wait3A_192 = tpu.memref_slice %arg6[%sub3A_191, %dma_wait3A] : memref<79x128xi32, #tpu.memory_space<vmem>> -> memref<1x128xi32, #tpu.memory_space<vmem>>
          %dma_wait3A_193 = tpu.memref_squeeze %dma_wait3A_192 : memref<1x128xi32, #tpu.memory_space<vmem>> -> memref<128xi32, #tpu.memory_space<vmem>>
          %dma_wait3A_194 = arith.constant 0 : i32
          %dma_wait3A_195 = arith.constant 0 : i32
          %dma_wait3A_196 = tpu.memref_slice %arg8[%dma_wait3A_194, %dma_wait3A_195] : memref<10240x128xf32, #tpu.memory_space<vmem_shared>> -> memref<10240x128xf32, #tpu.memory_space<vmem_shared>>
          tpu.wait_indirect_dma semaphore(%arg12 : memref<!tpu.dma_semaphore, #tpu.memory_space<semaphore_mem>>) src(%arg7 : memref<128x128xf32, #tpu.memory_space<vmem>>) dst(%dma_wait3A_196 : memref<10240x128xf32, #tpu.memory_space<vmem_shared>>)
        } else {
        }
      } else {
      }
    }
    %scan3A_12 = arith.constant 79 : i32
    %scan3A_13 = arith.constant 0 : i32
    %scan3A_14 = arith.constant 4 : i32
    %scan3A_15 = arith.addi %scan3A_13, %scan3A_14 : i32
    %scan3A_16 = arith.constant 1 : i32
    scf.for %scan3A_19 = %scan3A_13 to %scan3A_15 step %scan3A_16  : i32 {
      %mul3A_20 = arith.constant 1 : i32
      %mul3A_21 = arith.muli %scan3A_19, %mul3A_20 : i32
      %add3A_22 = arith.constant 75 : i32
      %add3A_23 = arith.addi %add3A_22, %mul3A_21 : i32
      %jit3A = arith.constant 4 : i32
      %eq3A_24 = arith.constant 0 : i32
      %eq3A_25 = arith.cmpi eq, %jit3A, %eq3A_24 : i32
      %jit3A_26 = arith.constant 1 : i32
      %select_n3A = arith.select %eq3A_25, %jit3A_26, %jit3A : i32
      %rem3A = arith.remsi %add3A_23, %select_n3A : i32
      %ne3A_27 = arith.constant 0 : i32
      %ne3A_28 = arith.cmpi ne, %rem3A, %ne3A_27 : i32
      %lt3A = arith.constant 0 : i32
      %lt3A_29 = arith.cmpi slt, %rem3A, %lt3A : i32
      %lt3A_30 = arith.constant 0 : i32
      %lt3A_31 = arith.cmpi slt, %select_n3A, %lt3A_30 : i32
      %ne3A_32 = arith.xori %lt3A_29, %lt3A_31 : i1
      %and3A = arith.andi %ne3A_32, %ne3A_28 : i1
      %add3A_33 = arith.addi %rem3A, %select_n3A : i32
      %select_n3A_34 = arith.select %and3A, %add3A_33, %rem3A : i32
      %eq3A_35 = arith.constant 0 : i32
      %eq3A_36 = arith.cmpi eq, %select_n3A_34, %eq3A_35 : i32
      %convert_element_type3A_37 = arith.extui %eq3A_36 : i1 to i32
      %cond3A_38 = arith.constant 0 : i32
      %cond3A_39 = arith.cmpi ne, %convert_element_type3A_37, %cond3A_38 : i32
      scf.if %cond3A_39 {
        %dma_wait3A = arith.constant 0 : i32
        %dma_wait3A_103 = tpu.memref_slice %arg6[%add3A_23, %dma_wait3A] : memref<79x128xi32, #tpu.memory_space<vmem>> -> memref<1x128xi32, #tpu.memory_space<vmem>>
        %dma_wait3A_104 = tpu.memref_squeeze %dma_wait3A_103 : memref<1x128xi32, #tpu.memory_space<vmem>> -> memref<128xi32, #tpu.memory_space<vmem>>
        %dma_wait3A_105 = arith.constant 0 : i32
        %dma_wait3A_106 = arith.constant 0 : i32
        %dma_wait3A_107 = tpu.memref_slice %arg8[%dma_wait3A_105, %dma_wait3A_106] : memref<10240x128xf32, #tpu.memory_space<vmem_shared>> -> memref<10240x128xf32, #tpu.memory_space<vmem_shared>>
        tpu.wait_indirect_dma semaphore(%arg9 : memref<!tpu.dma_semaphore, #tpu.memory_space<semaphore_mem>>) src(%arg7 : memref<128x128xf32, #tpu.memory_space<vmem>>) dst(%dma_wait3A_107 : memref<10240x128xf32, #tpu.memory_space<vmem_shared>>)
      } else {
      }
      %jit3A_40 = arith.constant 4 : i32
      %eq3A_41 = arith.constant 0 : i32
      %eq3A_42 = arith.cmpi eq, %jit3A_40, %eq3A_41 : i32
      %jit3A_43 = arith.constant 1 : i32
      %select_n3A_44 = arith.select %eq3A_42, %jit3A_43, %jit3A_40 : i32
      %rem3A_45 = arith.remsi %add3A_23, %select_n3A_44 : i32
      %ne3A_46 = arith.constant 0 : i32
      %ne3A_47 = arith.cmpi ne, %rem3A_45, %ne3A_46 : i32
      %lt3A_48 = arith.constant 0 : i32
      %lt3A_49 = arith.cmpi slt, %rem3A_45, %lt3A_48 : i32
      %lt3A_50 = arith.constant 0 : i32
      %lt3A_51 = arith.cmpi slt, %select_n3A_44, %lt3A_50 : i32
      %ne3A_52 = arith.xori %lt3A_49, %lt3A_51 : i1
      %and3A_53 = arith.andi %ne3A_52, %ne3A_47 : i1
      %add3A_54 = arith.addi %rem3A_45, %select_n3A_44 : i32
      %select_n3A_55 = arith.select %and3A_53, %add3A_54, %rem3A_45 : i32
      %eq3A_56 = arith.constant 1 : i32
      %eq3A_57 = arith.cmpi eq, %select_n3A_55, %eq3A_56 : i32
      %convert_element_type3A_58 = arith.extui %eq3A_57 : i1 to i32
      %cond3A_59 = arith.constant 0 : i32
      %cond3A_60 = arith.cmpi ne, %convert_element_type3A_58, %cond3A_59 : i32
      scf.if %cond3A_60 {
        %dma_wait3A = arith.constant 0 : i32
        %dma_wait3A_103 = tpu.memref_slice %arg6[%add3A_23, %dma_wait3A] : memref<79x128xi32, #tpu.memory_space<vmem>> -> memref<1x128xi32, #tpu.memory_space<vmem>>
        %dma_wait3A_104 = tpu.memref_squeeze %dma_wait3A_103 : memref<1x128xi32, #tpu.memory_space<vmem>> -> memref<128xi32, #tpu.memory_space<vmem>>
        %dma_wait3A_105 = arith.constant 0 : i32
        %dma_wait3A_106 = arith.constant 0 : i32
        %dma_wait3A_107 = tpu.memref_slice %arg8[%dma_wait3A_105, %dma_wait3A_106] : memref<10240x128xf32, #tpu.memory_space<vmem_shared>> -> memref<10240x128xf32, #tpu.memory_space<vmem_shared>>
        tpu.wait_indirect_dma semaphore(%arg10 : memref<!tpu.dma_semaphore, #tpu.memory_space<semaphore_mem>>) src(%arg7 : memref<128x128xf32, #tpu.memory_space<vmem>>) dst(%dma_wait3A_107 : memref<10240x128xf32, #tpu.memory_space<vmem_shared>>)
      } else {
      }
      %jit3A_61 = arith.constant 4 : i32
      %eq3A_62 = arith.constant 0 : i32
      %eq3A_63 = arith.cmpi eq, %jit3A_61, %eq3A_62 : i32
      %jit3A_64 = arith.constant 1 : i32
      %select_n3A_65 = arith.select %eq3A_63, %jit3A_64, %jit3A_61 : i32
      %rem3A_66 = arith.remsi %add3A_23, %select_n3A_65 : i32
      %ne3A_67 = arith.constant 0 : i32
      %ne3A_68 = arith.cmpi ne, %rem3A_66, %ne3A_67 : i32
      %lt3A_69 = arith.constant 0 : i32
      %lt3A_70 = arith.cmpi slt, %rem3A_66, %lt3A_69 : i32
      %lt3A_71 = arith.constant 0 : i32
      %lt3A_72 = arith.cmpi slt, %select_n3A_65, %lt3A_71 : i32
      %ne3A_73 = arith.xori %lt3A_70, %lt3A_72 : i1
      %and3A_74 = arith.andi %ne3A_73, %ne3A_68 : i1
      %add3A_75 = arith.addi %rem3A_66, %select_n3A_65 : i32
      %select_n3A_76 = arith.select %and3A_74, %add3A_75, %rem3A_66 : i32
      %eq3A_77 = arith.constant 2 : i32
      %eq3A_78 = arith.cmpi eq, %select_n3A_76, %eq3A_77 : i32
      %convert_element_type3A_79 = arith.extui %eq3A_78 : i1 to i32
      %cond3A_80 = arith.constant 0 : i32
      %cond3A_81 = arith.cmpi ne, %convert_element_type3A_79, %cond3A_80 : i32
      scf.if %cond3A_81 {
        %dma_wait3A = arith.constant 0 : i32
        %dma_wait3A_103 = tpu.memref_slice %arg6[%add3A_23, %dma_wait3A] : memref<79x128xi32, #tpu.memory_space<vmem>> -> memref<1x128xi32, #tpu.memory_space<vmem>>
        %dma_wait3A_104 = tpu.memref_squeeze %dma_wait3A_103 : memref<1x128xi32, #tpu.memory_space<vmem>> -> memref<128xi32, #tpu.memory_space<vmem>>
        %dma_wait3A_105 = arith.constant 0 : i32
        %dma_wait3A_106 = arith.constant 0 : i32
        %dma_wait3A_107 = tpu.memref_slice %arg8[%dma_wait3A_105, %dma_wait3A_106] : memref<10240x128xf32, #tpu.memory_space<vmem_shared>> -> memref<10240x128xf32, #tpu.memory_space<vmem_shared>>
        tpu.wait_indirect_dma semaphore(%arg11 : memref<!tpu.dma_semaphore, #tpu.memory_space<semaphore_mem>>) src(%arg7 : memref<128x128xf32, #tpu.memory_space<vmem>>) dst(%dma_wait3A_107 : memref<10240x128xf32, #tpu.memory_space<vmem_shared>>)
      } else {
      }
      %jit3A_82 = arith.constant 4 : i32
      %eq3A_83 = arith.constant 0 : i32
      %eq3A_84 = arith.cmpi eq, %jit3A_82, %eq3A_83 : i32
      %jit3A_85 = arith.constant 1 : i32
      %select_n3A_86 = arith.select %eq3A_84, %jit3A_85, %jit3A_82 : i32
      %rem3A_87 = arith.remsi %add3A_23, %select_n3A_86 : i32
      %ne3A_88 = arith.constant 0 : i32
      %ne3A_89 = arith.cmpi ne, %rem3A_87, %ne3A_88 : i32
      %lt3A_90 = arith.constant 0 : i32
      %lt3A_91 = arith.cmpi slt, %rem3A_87, %lt3A_90 : i32
      %lt3A_92 = arith.constant 0 : i32
      %lt3A_93 = arith.cmpi slt, %select_n3A_86, %lt3A_92 : i32
      %ne3A_94 = arith.xori %lt3A_91, %lt3A_93 : i1
      %and3A_95 = arith.andi %ne3A_94, %ne3A_89 : i1
      %add3A_96 = arith.addi %rem3A_87, %select_n3A_86 : i32
      %select_n3A_97 = arith.select %and3A_95, %add3A_96, %rem3A_87 : i32
      %eq3A_98 = arith.constant 3 : i32
      %eq3A_99 = arith.cmpi eq, %select_n3A_97, %eq3A_98 : i32
      %convert_element_type3A_100 = arith.extui %eq3A_99 : i1 to i32
      %cond3A_101 = arith.constant 0 : i32
      %cond3A_102 = arith.cmpi ne, %convert_element_type3A_100, %cond3A_101 : i32
      scf.if %cond3A_102 {
        %dma_wait3A = arith.constant 0 : i32
        %dma_wait3A_103 = tpu.memref_slice %arg6[%add3A_23, %dma_wait3A] : memref<79x128xi32, #tpu.memory_space<vmem>> -> memref<1x128xi32, #tpu.memory_space<vmem>>
        %dma_wait3A_104 = tpu.memref_squeeze %dma_wait3A_103 : memref<1x128xi32, #tpu.memory_space<vmem>> -> memref<128xi32, #tpu.memory_space<vmem>>
        %dma_wait3A_105 = arith.constant 0 : i32
        %dma_wait3A_106 = arith.constant 0 : i32
        %dma_wait3A_107 = tpu.memref_slice %arg8[%dma_wait3A_105, %dma_wait3A_106] : memref<10240x128xf32, #tpu.memory_space<vmem_shared>> -> memref<10240x128xf32, #tpu.memory_space<vmem_shared>>
        tpu.wait_indirect_dma semaphore(%arg12 : memref<!tpu.dma_semaphore, #tpu.memory_space<semaphore_mem>>) src(%arg7 : memref<128x128xf32, #tpu.memory_space<vmem>>) dst(%dma_wait3A_107 : memref<10240x128xf32, #tpu.memory_space<vmem_shared>>)
      } else {
      }
    }
    %scan3A_17 = arith.constant 4 : i32
    %barrier3A_18 = arith.constant 0 : index
    tpu.barrier barrier_id(%barrier3A_18)
    "tpu.region"() ({
      %run_scoped3A = tpu.sem_alloc : memref<!tpu.dma_semaphore, #tpu.memory_space<semaphore_mem>>
      %dma_start3A = arith.constant 0 : i32
      %dma_start3A_19 = tpu.memref_slice %arg5[%arg0, %mul3A_2, %dma_start3A] : memref<2x10240x128xf32, #tpu.memory_space<hbm>> -> memref<1x640x128xf32, #tpu.memory_space<hbm>>
      %dma_start3A_20 = tpu.memref_squeeze %dma_start3A_19 : memref<1x640x128xf32, #tpu.memory_space<hbm>> -> memref<640x128xf32, #tpu.memory_space<hbm>>
      %dma_start3A_21 = arith.constant 0 : i32
      %dma_start3A_22 = tpu.memref_slice %arg8[%mul3A_2, %dma_start3A_21] : memref<10240x128xf32, #tpu.memory_space<vmem_shared>> -> memref<640x128xf32, #tpu.memory_space<vmem_shared>>
      tpu.enqueue_dma source(%dma_start3A_22 : memref<640x128xf32, #tpu.memory_space<vmem_shared>>) target(%dma_start3A_20 : memref<640x128xf32, #tpu.memory_space<hbm>>) target_semaphore(%run_scoped3A : memref<!tpu.dma_semaphore, #tpu.memory_space<semaphore_mem>>)
      %dma_wait3A = arith.constant 0 : i32
      %dma_wait3A_23 = tpu.memref_slice %arg5[%arg0, %mul3A_2, %dma_wait3A] : memref<2x10240x128xf32, #tpu.memory_space<hbm>> -> memref<1x640x128xf32, #tpu.memory_space<hbm>>
      %dma_wait3A_24 = tpu.memref_squeeze %dma_wait3A_23 : memref<1x640x128xf32, #tpu.memory_space<hbm>> -> memref<640x128xf32, #tpu.memory_space<hbm>>
      %dma_wait3A_25 = arith.constant 0 : i32
      %dma_wait3A_26 = tpu.memref_slice %arg8[%mul3A_2, %dma_wait3A_25] : memref<10240x128xf32, #tpu.memory_space<vmem_shared>> -> memref<640x128xf32, #tpu.memory_space<vmem_shared>>
      tpu.wait_dma2 semaphore(%run_scoped3A : memref<!tpu.dma_semaphore, #tpu.memory_space<semaphore_mem>>) src(%dma_wait3A_26 : memref<640x128xf32, #tpu.memory_space<vmem_shared>>) dst(%dma_wait3A_24 : memref<640x128xf32, #tpu.memory_space<hbm>>)
      tpu.yield
    }) : () -> ()
    return
  }
}

#map = affine_map<(d0, d1) -> (0, 0)>
#map1 = affine_map<(d0, d1) -> (0, 0, 0)>
module attributes {stable_mosaic.version = 14 : i64} {
  func.func @scat_kernel(%arg0: i32, %arg1: i32, %arg2: memref<10240x128xf32, #tpu.memory_space<hbm>>, %arg3: memref<32x82x128xi32, #tpu.memory_space<hbm>>, %arg4: memref<32x82x128xi32, #tpu.memory_space<hbm>>, %arg5: memref<10240x128xf32, #tpu.memory_space<hbm>>, %arg6: memref<2x10240x128xf32, #tpu.memory_space<hbm>>, %arg7: memref<82x128xi32, #tpu.memory_space<vmem>>, %arg8: memref<82x128xi32, #tpu.memory_space<vmem>>, %arg9: memref<128x128xf32, #tpu.memory_space<vmem>>, %arg10: memref<10240x128xf32, #tpu.memory_space<vmem_shared>>, %arg11: memref<!tpu.dma_semaphore, #tpu.memory_space<semaphore_mem>>) attributes {dimension_semantics = [#tpu.dimension_semantics<core_parallel>, #tpu.dimension_semantics<subcore_parallel>], iteration_bounds = array<i64: 2, 16>, scalar_prefetch = 0 : i64, scratch_operands = 5 : i64, tpu.core_type = #tpu.core_type<sc_vector_subcore>, window_params = [{transform_indices = #map}, {transform_indices = #map1}, {transform_indices = #map1}, {transform_indices = #map}, {transform_indices = #map1}]} {
    %mul3A = arith.constant 2 : i32
    %mul3A_0 = arith.muli %arg1, %mul3A : i32
    %add3A = arith.addi %mul3A_0, %arg0 : i32
    %mul3A_1 = arith.constant 640 : i32
    %mul3A_2 = arith.muli %arg1, %mul3A_1 : i32
    %eq3A = arith.constant 0 : i32
    %eq3A_3 = arith.cmpi eq, %arg0, %eq3A : i32
    %convert_element_type3A = arith.extui %eq3A_3 : i1 to i32
    %cond3A = arith.constant 0 : i32
    %cond3A_4 = arith.cmpi ne, %convert_element_type3A, %cond3A : i32
    scf.if %cond3A_4 {
      "tpu.region"() ({
        %run_scoped3A = tpu.sem_alloc : memref<!tpu.dma_semaphore, #tpu.memory_space<semaphore_mem>>
        %dma_start3A = arith.constant 0 : i32
        %dma_start3A_29 = tpu.memref_slice %arg10[%mul3A_2, %dma_start3A] : memref<10240x128xf32, #tpu.memory_space<vmem_shared>> -> memref<640x128xf32, #tpu.memory_space<vmem_shared>>
        %dma_start3A_30 = arith.constant 0 : i32
        %dma_start3A_31 = tpu.memref_slice %arg2[%mul3A_2, %dma_start3A_30] : memref<10240x128xf32, #tpu.memory_space<hbm>> -> memref<640x128xf32, #tpu.memory_space<hbm>>
        tpu.enqueue_dma source(%dma_start3A_31 : memref<640x128xf32, #tpu.memory_space<hbm>>) target(%dma_start3A_29 : memref<640x128xf32, #tpu.memory_space<vmem_shared>>) target_semaphore(%run_scoped3A : memref<!tpu.dma_semaphore, #tpu.memory_space<semaphore_mem>>)
        %dma_wait3A = arith.constant 0 : i32
        %dma_wait3A_32 = tpu.memref_slice %arg10[%mul3A_2, %dma_wait3A] : memref<10240x128xf32, #tpu.memory_space<vmem_shared>> -> memref<640x128xf32, #tpu.memory_space<vmem_shared>>
        %dma_wait3A_33 = arith.constant 0 : i32
        %dma_wait3A_34 = tpu.memref_slice %arg2[%mul3A_2, %dma_wait3A_33] : memref<10240x128xf32, #tpu.memory_space<hbm>> -> memref<640x128xf32, #tpu.memory_space<hbm>>
        tpu.wait_dma2 semaphore(%run_scoped3A : memref<!tpu.dma_semaphore, #tpu.memory_space<semaphore_mem>>) src(%dma_wait3A_34 : memref<640x128xf32, #tpu.memory_space<hbm>>) dst(%dma_wait3A_32 : memref<640x128xf32, #tpu.memory_space<vmem_shared>>)
        tpu.yield
      }) : () -> ()
    } else {
    }
    %ne3A = arith.constant 0 : i32
    %ne3A_5 = arith.cmpi ne, %arg0, %ne3A : i32
    %convert_element_type3A_6 = arith.extui %ne3A_5 : i1 to i32
    %cond3A_7 = arith.constant 0 : i32
    %cond3A_8 = arith.cmpi ne, %convert_element_type3A_6, %cond3A_7 : i32
    scf.if %cond3A_8 {
      "tpu.region"() ({
        %run_scoped3A = tpu.sem_alloc : memref<!tpu.dma_semaphore, #tpu.memory_space<semaphore_mem>>
        %dma_start3A = arith.constant 0 : i32
        %dma_start3A_29 = tpu.memref_slice %arg10[%mul3A_2, %dma_start3A] : memref<10240x128xf32, #tpu.memory_space<vmem_shared>> -> memref<640x128xf32, #tpu.memory_space<vmem_shared>>
        %dma_start3A_30 = arith.constant 0 : i32
        %dma_start3A_31 = tpu.memref_slice %arg5[%mul3A_2, %dma_start3A_30] : memref<10240x128xf32, #tpu.memory_space<hbm>> -> memref<640x128xf32, #tpu.memory_space<hbm>>
        tpu.enqueue_dma source(%dma_start3A_31 : memref<640x128xf32, #tpu.memory_space<hbm>>) target(%dma_start3A_29 : memref<640x128xf32, #tpu.memory_space<vmem_shared>>) target_semaphore(%run_scoped3A : memref<!tpu.dma_semaphore, #tpu.memory_space<semaphore_mem>>)
        %dma_wait3A = arith.constant 0 : i32
        %dma_wait3A_32 = tpu.memref_slice %arg10[%mul3A_2, %dma_wait3A] : memref<10240x128xf32, #tpu.memory_space<vmem_shared>> -> memref<640x128xf32, #tpu.memory_space<vmem_shared>>
        %dma_wait3A_33 = arith.constant 0 : i32
        %dma_wait3A_34 = tpu.memref_slice %arg5[%mul3A_2, %dma_wait3A_33] : memref<10240x128xf32, #tpu.memory_space<hbm>> -> memref<640x128xf32, #tpu.memory_space<hbm>>
        tpu.wait_dma2 semaphore(%run_scoped3A : memref<!tpu.dma_semaphore, #tpu.memory_space<semaphore_mem>>) src(%dma_wait3A_34 : memref<640x128xf32, #tpu.memory_space<hbm>>) dst(%dma_wait3A_32 : memref<640x128xf32, #tpu.memory_space<vmem_shared>>)
        tpu.yield
      }) : () -> ()
    } else {
    }
    "tpu.region"() ({
      %run_scoped3A = tpu.sem_alloc : memref<!tpu.dma_semaphore, #tpu.memory_space<semaphore_mem>>
      %dma_start3A = arith.constant 0 : i32
      %dma_start3A_29 = arith.constant 0 : i32
      %dma_start3A_30 = tpu.memref_slice %arg3[%add3A, %dma_start3A, %dma_start3A_29] : memref<32x82x128xi32, #tpu.memory_space<hbm>> -> memref<1x82x128xi32, #tpu.memory_space<hbm>>
      %dma_start3A_31 = tpu.memref_squeeze %dma_start3A_30 : memref<1x82x128xi32, #tpu.memory_space<hbm>> -> memref<82x128xi32, #tpu.memory_space<hbm>>
      %dma_start3A_32 = arith.constant 0 : i32
      %dma_start3A_33 = arith.constant 0 : i32
      %dma_start3A_34 = tpu.memref_slice %arg3[%add3A, %dma_start3A_32, %dma_start3A_33] : memref<32x82x128xi32, #tpu.memory_space<hbm>> -> memref<1x82x128xi32, #tpu.memory_space<hbm>>
      %dma_start3A_35 = tpu.memref_squeeze %dma_start3A_34 : memref<1x82x128xi32, #tpu.memory_space<hbm>> -> memref<82x128xi32, #tpu.memory_space<hbm>>
      tpu.enqueue_dma source(%dma_start3A_35 : memref<82x128xi32, #tpu.memory_space<hbm>>) target(%arg7 : memref<82x128xi32, #tpu.memory_space<vmem>>) target_semaphore(%run_scoped3A : memref<!tpu.dma_semaphore, #tpu.memory_space<semaphore_mem>>)
      %dma_wait3A = arith.constant 0 : i32
      %dma_wait3A_36 = arith.constant 0 : i32
      %dma_wait3A_37 = tpu.memref_slice %arg3[%add3A, %dma_wait3A, %dma_wait3A_36] : memref<32x82x128xi32, #tpu.memory_space<hbm>> -> memref<1x82x128xi32, #tpu.memory_space<hbm>>
      %dma_wait3A_38 = tpu.memref_squeeze %dma_wait3A_37 : memref<1x82x128xi32, #tpu.memory_space<hbm>> -> memref<82x128xi32, #tpu.memory_space<hbm>>
      %dma_wait3A_39 = arith.constant 0 : i32
      %dma_wait3A_40 = arith.constant 0 : i32
      %dma_wait3A_41 = tpu.memref_slice %arg3[%add3A, %dma_wait3A_39, %dma_wait3A_40] : memref<32x82x128xi32, #tpu.memory_space<hbm>> -> memref<1x82x128xi32, #tpu.memory_space<hbm>>
      %dma_wait3A_42 = tpu.memref_squeeze %dma_wait3A_41 : memref<1x82x128xi32, #tpu.memory_space<hbm>> -> memref<82x128xi32, #tpu.memory_space<hbm>>
      tpu.wait_dma2 semaphore(%run_scoped3A : memref<!tpu.dma_semaphore, #tpu.memory_space<semaphore_mem>>) src(%dma_wait3A_42 : memref<82x128xi32, #tpu.memory_space<hbm>>) dst(%arg7 : memref<82x128xi32, #tpu.memory_space<vmem>>)
      tpu.yield
    }) : () -> ()
    "tpu.region"() ({
      %run_scoped3A = tpu.sem_alloc : memref<!tpu.dma_semaphore, #tpu.memory_space<semaphore_mem>>
      %dma_start3A = arith.constant 0 : i32
      %dma_start3A_29 = arith.constant 0 : i32
      %dma_start3A_30 = tpu.memref_slice %arg4[%add3A, %dma_start3A, %dma_start3A_29] : memref<32x82x128xi32, #tpu.memory_space<hbm>> -> memref<1x82x128xi32, #tpu.memory_space<hbm>>
      %dma_start3A_31 = tpu.memref_squeeze %dma_start3A_30 : memref<1x82x128xi32, #tpu.memory_space<hbm>> -> memref<82x128xi32, #tpu.memory_space<hbm>>
      %dma_start3A_32 = arith.constant 0 : i32
      %dma_start3A_33 = arith.constant 0 : i32
      %dma_start3A_34 = tpu.memref_slice %arg4[%add3A, %dma_start3A_32, %dma_start3A_33] : memref<32x82x128xi32, #tpu.memory_space<hbm>> -> memref<1x82x128xi32, #tpu.memory_space<hbm>>
      %dma_start3A_35 = tpu.memref_squeeze %dma_start3A_34 : memref<1x82x128xi32, #tpu.memory_space<hbm>> -> memref<82x128xi32, #tpu.memory_space<hbm>>
      tpu.enqueue_dma source(%dma_start3A_35 : memref<82x128xi32, #tpu.memory_space<hbm>>) target(%arg8 : memref<82x128xi32, #tpu.memory_space<vmem>>) target_semaphore(%run_scoped3A : memref<!tpu.dma_semaphore, #tpu.memory_space<semaphore_mem>>)
      %dma_wait3A = arith.constant 0 : i32
      %dma_wait3A_36 = arith.constant 0 : i32
      %dma_wait3A_37 = tpu.memref_slice %arg4[%add3A, %dma_wait3A, %dma_wait3A_36] : memref<32x82x128xi32, #tpu.memory_space<hbm>> -> memref<1x82x128xi32, #tpu.memory_space<hbm>>
      %dma_wait3A_38 = tpu.memref_squeeze %dma_wait3A_37 : memref<1x82x128xi32, #tpu.memory_space<hbm>> -> memref<82x128xi32, #tpu.memory_space<hbm>>
      %dma_wait3A_39 = arith.constant 0 : i32
      %dma_wait3A_40 = arith.constant 0 : i32
      %dma_wait3A_41 = tpu.memref_slice %arg4[%add3A, %dma_wait3A_39, %dma_wait3A_40] : memref<32x82x128xi32, #tpu.memory_space<hbm>> -> memref<1x82x128xi32, #tpu.memory_space<hbm>>
      %dma_wait3A_42 = tpu.memref_squeeze %dma_wait3A_41 : memref<1x82x128xi32, #tpu.memory_space<hbm>> -> memref<82x128xi32, #tpu.memory_space<hbm>>
      tpu.wait_dma2 semaphore(%run_scoped3A : memref<!tpu.dma_semaphore, #tpu.memory_space<semaphore_mem>>) src(%dma_wait3A_42 : memref<82x128xi32, #tpu.memory_space<hbm>>) dst(%arg8 : memref<82x128xi32, #tpu.memory_space<vmem>>)
      tpu.yield
    }) : () -> ()
    %barrier3A = arith.constant 0 : index
    tpu.barrier barrier_id(%barrier3A)
    %eq3A_9 = arith.constant 0 : i32
    %eq3A_10 = arith.cmpi eq, %arg0, %eq3A_9 : i32
    %jit3A = arith.constant 75 : i32
    %jit3A_11 = arith.constant 82 : i32
    %select_n3A = arith.select %eq3A_10, %jit3A, %jit3A_11 : i32
    %sub3A = arith.constant 0 : i32
    %sub3A_12 = arith.subi %select_n3A, %sub3A : i32
    %sub3A_13 = arith.constant 1 : i32
    %sub3A_14 = arith.constant 1 : i32
    %sub3A_15 = arith.subi %sub3A_13, %sub3A_14 : i32
    %add3A_16 = arith.addi %sub3A_12, %sub3A_15 : i32
    %div3A = arith.constant 1 : i32
    %div3A_17 = arith.divsi %add3A_16, %div3A : i32
    %while3A = arith.constant 1 : i32
    %while3A_18 = arith.constant 0 : i32
    %while3A_19 = arith.constant 0 : i32
    %while3A_20 = arith.subi %div3A_17, %while3A_19 : i32
    %while3A_21 = arith.addi %while3A_19, %while3A_20 : i32
    %while3A_22 = arith.constant 1 : i32
    %while3A_23 = arith.divsi %while3A_20, %while3A_22 : i32
    %while3A_24 = arith.muli %while3A_23, %while3A_22 : i32
    %while3A_25 = arith.addi %while3A_19, %while3A_24 : i32
    %while3A_26 = arith.constant 1 : i32
    scf.for %while3A_29 = %while3A_19 to %while3A_25 step %while3A_26  : i32 {
      %mul3A_30 = arith.muli %while3A_29, %while3A : i32
      %add3A_31 = arith.addi %while3A_18, %mul3A_30 : i32
      %dma_start3A = arith.constant 0 : i32
      %dma_start3A_32 = tpu.memref_slice %arg7[%add3A_31, %dma_start3A] : memref<82x128xi32, #tpu.memory_space<vmem>> -> memref<1x128xi32, #tpu.memory_space<vmem>>
      %dma_start3A_33 = tpu.memref_squeeze %dma_start3A_32 : memref<1x128xi32, #tpu.memory_space<vmem>> -> memref<128xi32, #tpu.memory_space<vmem>>
      %dma_start3A_34 = arith.constant 0 : i32
      %dma_start3A_35 = arith.constant 0 : i32
      %dma_start3A_36 = tpu.memref_slice %arg2[%dma_start3A_34, %dma_start3A_35] : memref<10240x128xf32, #tpu.memory_space<hbm>> -> memref<10240x128xf32, #tpu.memory_space<hbm>>
      tpu.enqueue_indirect_dma source(%dma_start3A_36 : memref<10240x128xf32, #tpu.memory_space<hbm>>) target(%arg9 : memref<128x128xf32, #tpu.memory_space<vmem>>) offsets(%dma_start3A_33 : memref<128xi32, #tpu.memory_space<vmem>>) semaphore(%arg11 : memref<!tpu.dma_semaphore, #tpu.memory_space<semaphore_mem>>)
      %dma_wait3A = arith.constant 0 : i32
      %dma_wait3A_37 = tpu.memref_slice %arg7[%add3A_31, %dma_wait3A] : memref<82x128xi32, #tpu.memory_space<vmem>> -> memref<1x128xi32, #tpu.memory_space<vmem>>
      %dma_wait3A_38 = tpu.memref_squeeze %dma_wait3A_37 : memref<1x128xi32, #tpu.memory_space<vmem>> -> memref<128xi32, #tpu.memory_space<vmem>>
      %dma_wait3A_39 = arith.constant 0 : i32
      %dma_wait3A_40 = arith.constant 0 : i32
      %dma_wait3A_41 = tpu.memref_slice %arg2[%dma_wait3A_39, %dma_wait3A_40] : memref<10240x128xf32, #tpu.memory_space<hbm>> -> memref<10240x128xf32, #tpu.memory_space<hbm>>
      tpu.wait_indirect_dma semaphore(%arg11 : memref<!tpu.dma_semaphore, #tpu.memory_space<semaphore_mem>>) src(%dma_wait3A_41 : memref<10240x128xf32, #tpu.memory_space<hbm>>) dst(%arg9 : memref<128x128xf32, #tpu.memory_space<vmem>>)
      "tpu.region"() ({
        %run_scoped3A = tpu.sem_alloc : memref<!tpu.dma_semaphore, #tpu.memory_space<semaphore_mem>>
        %dma_start3A_42 = arith.constant 0 : i32
        %dma_start3A_43 = tpu.memref_slice %arg8[%add3A_31, %dma_start3A_42] : memref<82x128xi32, #tpu.memory_space<vmem>> -> memref<1x128xi32, #tpu.memory_space<vmem>>
        %dma_start3A_44 = tpu.memref_squeeze %dma_start3A_43 : memref<1x128xi32, #tpu.memory_space<vmem>> -> memref<128xi32, #tpu.memory_space<vmem>>
        %dma_start3A_45 = arith.constant 0 : i32
        %dma_start3A_46 = arith.constant 0 : i32
        %dma_start3A_47 = tpu.memref_slice %arg10[%dma_start3A_45, %dma_start3A_46] : memref<10240x128xf32, #tpu.memory_space<vmem_shared>> -> memref<10240x128xf32, #tpu.memory_space<vmem_shared>>
        tpu.enqueue_indirect_dma source(%arg9 : memref<128x128xf32, #tpu.memory_space<vmem>>) target(%dma_start3A_47 : memref<10240x128xf32, #tpu.memory_space<vmem_shared>>) offsets(%dma_start3A_44 : memref<128xi32, #tpu.memory_space<vmem>>) semaphore(%run_scoped3A : memref<!tpu.dma_semaphore, #tpu.memory_space<semaphore_mem>>) {add = true}
        %dma_wait3A_48 = arith.constant 0 : i32
        %dma_wait3A_49 = tpu.memref_slice %arg8[%add3A_31, %dma_wait3A_48] : memref<82x128xi32, #tpu.memory_space<vmem>> -> memref<1x128xi32, #tpu.memory_space<vmem>>
        %dma_wait3A_50 = tpu.memref_squeeze %dma_wait3A_49 : memref<1x128xi32, #tpu.memory_space<vmem>> -> memref<128xi32, #tpu.memory_space<vmem>>
        %dma_wait3A_51 = arith.constant 0 : i32
        %dma_wait3A_52 = arith.constant 0 : i32
        %dma_wait3A_53 = tpu.memref_slice %arg10[%dma_wait3A_51, %dma_wait3A_52] : memref<10240x128xf32, #tpu.memory_space<vmem_shared>> -> memref<10240x128xf32, #tpu.memory_space<vmem_shared>>
        tpu.wait_indirect_dma semaphore(%run_scoped3A : memref<!tpu.dma_semaphore, #tpu.memory_space<semaphore_mem>>) src(%arg9 : memref<128x128xf32, #tpu.memory_space<vmem>>) dst(%dma_wait3A_53 : memref<10240x128xf32, #tpu.memory_space<vmem_shared>>)
        tpu.yield
      }) : () -> ()
    }
    %while3A_27 = arith.constant 1 : i32
    scf.for %while3A_29 = %while3A_25 to %while3A_21 step %while3A_27  : i32 {
      %mul3A_30 = arith.muli %while3A_29, %while3A : i32
      %add3A_31 = arith.addi %while3A_18, %mul3A_30 : i32
      %dma_start3A = arith.constant 0 : i32
      %dma_start3A_32 = tpu.memref_slice %arg7[%add3A_31, %dma_start3A] : memref<82x128xi32, #tpu.memory_space<vmem>> -> memref<1x128xi32, #tpu.memory_space<vmem>>
      %dma_start3A_33 = tpu.memref_squeeze %dma_start3A_32 : memref<1x128xi32, #tpu.memory_space<vmem>> -> memref<128xi32, #tpu.memory_space<vmem>>
      %dma_start3A_34 = arith.constant 0 : i32
      %dma_start3A_35 = arith.constant 0 : i32
      %dma_start3A_36 = tpu.memref_slice %arg2[%dma_start3A_34, %dma_start3A_35] : memref<10240x128xf32, #tpu.memory_space<hbm>> -> memref<10240x128xf32, #tpu.memory_space<hbm>>
      tpu.enqueue_indirect_dma source(%dma_start3A_36 : memref<10240x128xf32, #tpu.memory_space<hbm>>) target(%arg9 : memref<128x128xf32, #tpu.memory_space<vmem>>) offsets(%dma_start3A_33 : memref<128xi32, #tpu.memory_space<vmem>>) semaphore(%arg11 : memref<!tpu.dma_semaphore, #tpu.memory_space<semaphore_mem>>)
      %dma_wait3A = arith.constant 0 : i32
      %dma_wait3A_37 = tpu.memref_slice %arg7[%add3A_31, %dma_wait3A] : memref<82x128xi32, #tpu.memory_space<vmem>> -> memref<1x128xi32, #tpu.memory_space<vmem>>
      %dma_wait3A_38 = tpu.memref_squeeze %dma_wait3A_37 : memref<1x128xi32, #tpu.memory_space<vmem>> -> memref<128xi32, #tpu.memory_space<vmem>>
      %dma_wait3A_39 = arith.constant 0 : i32
      %dma_wait3A_40 = arith.constant 0 : i32
      %dma_wait3A_41 = tpu.memref_slice %arg2[%dma_wait3A_39, %dma_wait3A_40] : memref<10240x128xf32, #tpu.memory_space<hbm>> -> memref<10240x128xf32, #tpu.memory_space<hbm>>
      tpu.wait_indirect_dma semaphore(%arg11 : memref<!tpu.dma_semaphore, #tpu.memory_space<semaphore_mem>>) src(%dma_wait3A_41 : memref<10240x128xf32, #tpu.memory_space<hbm>>) dst(%arg9 : memref<128x128xf32, #tpu.memory_space<vmem>>)
      "tpu.region"() ({
        %run_scoped3A = tpu.sem_alloc : memref<!tpu.dma_semaphore, #tpu.memory_space<semaphore_mem>>
        %dma_start3A_42 = arith.constant 0 : i32
        %dma_start3A_43 = tpu.memref_slice %arg8[%add3A_31, %dma_start3A_42] : memref<82x128xi32, #tpu.memory_space<vmem>> -> memref<1x128xi32, #tpu.memory_space<vmem>>
        %dma_start3A_44 = tpu.memref_squeeze %dma_start3A_43 : memref<1x128xi32, #tpu.memory_space<vmem>> -> memref<128xi32, #tpu.memory_space<vmem>>
        %dma_start3A_45 = arith.constant 0 : i32
        %dma_start3A_46 = arith.constant 0 : i32
        %dma_start3A_47 = tpu.memref_slice %arg10[%dma_start3A_45, %dma_start3A_46] : memref<10240x128xf32, #tpu.memory_space<vmem_shared>> -> memref<10240x128xf32, #tpu.memory_space<vmem_shared>>
        tpu.enqueue_indirect_dma source(%arg9 : memref<128x128xf32, #tpu.memory_space<vmem>>) target(%dma_start3A_47 : memref<10240x128xf32, #tpu.memory_space<vmem_shared>>) offsets(%dma_start3A_44 : memref<128xi32, #tpu.memory_space<vmem>>) semaphore(%run_scoped3A : memref<!tpu.dma_semaphore, #tpu.memory_space<semaphore_mem>>) {add = true}
        %dma_wait3A_48 = arith.constant 0 : i32
        %dma_wait3A_49 = tpu.memref_slice %arg8[%add3A_31, %dma_wait3A_48] : memref<82x128xi32, #tpu.memory_space<vmem>> -> memref<1x128xi32, #tpu.memory_space<vmem>>
        %dma_wait3A_50 = tpu.memref_squeeze %dma_wait3A_49 : memref<1x128xi32, #tpu.memory_space<vmem>> -> memref<128xi32, #tpu.memory_space<vmem>>
        %dma_wait3A_51 = arith.constant 0 : i32
        %dma_wait3A_52 = arith.constant 0 : i32
        %dma_wait3A_53 = tpu.memref_slice %arg10[%dma_wait3A_51, %dma_wait3A_52] : memref<10240x128xf32, #tpu.memory_space<vmem_shared>> -> memref<10240x128xf32, #tpu.memory_space<vmem_shared>>
        tpu.wait_indirect_dma semaphore(%run_scoped3A : memref<!tpu.dma_semaphore, #tpu.memory_space<semaphore_mem>>) src(%arg9 : memref<128x128xf32, #tpu.memory_space<vmem>>) dst(%dma_wait3A_53 : memref<10240x128xf32, #tpu.memory_space<vmem_shared>>)
        tpu.yield
      }) : () -> ()
    }
    %barrier3A_28 = arith.constant 0 : index
    tpu.barrier barrier_id(%barrier3A_28)
    "tpu.region"() ({
      %run_scoped3A = tpu.sem_alloc : memref<!tpu.dma_semaphore, #tpu.memory_space<semaphore_mem>>
      %dma_start3A = arith.constant 0 : i32
      %dma_start3A_29 = tpu.memref_slice %arg6[%arg0, %mul3A_2, %dma_start3A] : memref<2x10240x128xf32, #tpu.memory_space<hbm>> -> memref<1x640x128xf32, #tpu.memory_space<hbm>>
      %dma_start3A_30 = tpu.memref_squeeze %dma_start3A_29 : memref<1x640x128xf32, #tpu.memory_space<hbm>> -> memref<640x128xf32, #tpu.memory_space<hbm>>
      %dma_start3A_31 = arith.constant 0 : i32
      %dma_start3A_32 = tpu.memref_slice %arg10[%mul3A_2, %dma_start3A_31] : memref<10240x128xf32, #tpu.memory_space<vmem_shared>> -> memref<640x128xf32, #tpu.memory_space<vmem_shared>>
      tpu.enqueue_dma source(%dma_start3A_32 : memref<640x128xf32, #tpu.memory_space<vmem_shared>>) target(%dma_start3A_30 : memref<640x128xf32, #tpu.memory_space<hbm>>) target_semaphore(%run_scoped3A : memref<!tpu.dma_semaphore, #tpu.memory_space<semaphore_mem>>)
      %dma_wait3A = arith.constant 0 : i32
      %dma_wait3A_33 = tpu.memref_slice %arg6[%arg0, %mul3A_2, %dma_wait3A] : memref<2x10240x128xf32, #tpu.memory_space<hbm>> -> memref<1x640x128xf32, #tpu.memory_space<hbm>>
      %dma_wait3A_34 = tpu.memref_squeeze %dma_wait3A_33 : memref<1x640x128xf32, #tpu.memory_space<hbm>> -> memref<640x128xf32, #tpu.memory_space<hbm>>
      %dma_wait3A_35 = arith.constant 0 : i32
      %dma_wait3A_36 = tpu.memref_slice %arg10[%mul3A_2, %dma_wait3A_35] : memref<10240x128xf32, #tpu.memory_space<vmem_shared>> -> memref<640x128xf32, #tpu.memory_space<vmem_shared>>
      tpu.wait_dma2 semaphore(%run_scoped3A : memref<!tpu.dma_semaphore, #tpu.memory_space<semaphore_mem>>) src(%dma_wait3A_36 : memref<640x128xf32, #tpu.memory_space<vmem_shared>>) dst(%dma_wait3A_34 : memref<640x128xf32, #tpu.memory_space<hbm>>)
      tpu.yield
    }) : () -> ()
    return
  }
}

module attributes {stable_mosaic.version = 14 : i64} {
  func.func @body(%arg0: i32, %arg1: memref<256x128xf32, #tpu.memory_space<vmem>>, %arg2: memref<128x128xf32, #tpu.memory_space<vmem>>, %arg3: memref<2x256x128xf32, #tpu.memory_space<vmem>>, %arg4: memref<256x128xf32, #tpu.memory_space<vmem>>) attributes {dimension_semantics = [#tpu.dimension_semantics<arbitrary>], iteration_bounds = array<i64: 40>, scalar_prefetch = 0 : i64, scratch_operands = 0 : i64, tpu.core_type = #tpu.core_type<tc>, window_params = [{transform_indices = @transform_0, window_bounds = array<i64: 256, 128>}, {pipeline_mode = #tpu.pipeline_mode<synchronous>, transform_indices = @transform_1, window_bounds = array<i64: 128, 128>}, {transform_indices = @transform_2, window_bounds = array<i64: 2, 256, 128>}, {transform_indices = @transform_3, window_bounds = array<i64: 256, 128>}]} {
    %get3A = arith.constant 0 : index
    %get3A_0 = arith.constant 0 : index
    %get3A_1 = vector.load %arg1[%get3A, %get3A_0] : memref<256x128xf32, #tpu.memory_space<vmem>>, vector<256x128xf32>
    %get3A_2 = arith.constant 0 : index
    %get3A_3 = arith.constant 0 : index
    %get3A_4 = vector.load %arg2[%get3A_2, %get3A_3] : memref<128x128xf32, #tpu.memory_space<vmem>>, vector<128x128xf32>
    %dot_general3A = arith.constant dense<0.000000e+00> : vector<256x128xf32>
    %dot_general3A_5 = tpu.matmul %get3A_1, %get3A_4, %dot_general3A {dimension_numbers = #tpu.dot_dimension_numbers<[1], [0], [0], [1], [0, 0, 1, 1], [], []>, transpose_lhs_hint = false} : vector<256x128xf32>, vector<128x128xf32>, vector<256x128xf32> -> vector<256x128xf32>
    %get3A_6 = arith.constant 0 : index
    %get3A_7 = arith.constant 0 : index
    %get3A_8 = arith.constant 0 : index
    %get3A_9 = vector.load %arg3[%get3A_6, %get3A_7, %get3A_8] : memref<2x256x128xf32, #tpu.memory_space<vmem>>, vector<1x256x1xf32>
    %get3A_10 = vector.shape_cast %get3A_9 : vector<1x256x1xf32> to vector<256xf32>
    %get3A_11 = arith.constant 1 : index
    %get3A_12 = arith.constant 0 : index
    %get3A_13 = arith.constant 0 : index
    %get3A_14 = vector.load %arg3[%get3A_11, %get3A_12, %get3A_13] : memref<2x256x128xf32, #tpu.memory_space<vmem>>, vector<1x256x1xf32>
    %get3A_15 = vector.shape_cast %get3A_14 : vector<1x256x1xf32> to vector<256xf32>
    %add3A = arith.addf %get3A_10, %get3A_15 : vector<256xf32>
    %rsqrt3A = math.rsqrt %add3A : vector<256xf32>
    %broadcast_in_dim3A = vector.shape_cast %rsqrt3A : vector<256xf32> to vector<256x1xf32>
    %mul3A = vector.broadcast %broadcast_in_dim3A : vector<256x1xf32> to vector<256x128xf32>
    %mul3A_16 = arith.mulf %dot_general3A_5, %mul3A : vector<256x128xf32>
    %swap3A = arith.constant 0 : index
    %swap3A_17 = arith.constant 0 : index
    %swap3A_18 = vector.load %arg4[%swap3A, %swap3A_17] : memref<256x128xf32, #tpu.memory_space<vmem>>, vector<256x128xf32>
    tpu.vector_store %arg4[%swap3A, %swap3A_17], %mul3A_16 {strides = array<i32>} : memref<256x128xf32, #tpu.memory_space<vmem>>, vector<256x128xf32>,
    return
  }
  func.func @transform_0(%arg0: i32) -> (i32, i32) {
    %c0_i32 = arith.constant 0 : i32
    %c0_i32_0 = arith.constant 0 : i32
    return %arg0, %c0_i32 : i32, i32
  }
  func.func @transform_1(%arg0: i32) -> (i32, i32) {
    %c0_i32 = arith.constant 0 : i32
    %c0_i32_0 = arith.constant 0 : i32
    %c0_i32_1 = arith.constant 0 : i32
    return %c0_i32, %c0_i32_0 : i32, i32
  }
  func.func @transform_2(%arg0: i32) -> (i32, i32, i32) {
    %c0_i32 = arith.constant 0 : i32
    %c0_i32_0 = arith.constant 0 : i32
    %c0_i32_1 = arith.constant 0 : i32
    return %c0_i32, %arg0, %c0_i32_0 : i32, i32, i32
  }
  func.func @transform_3(%arg0: i32) -> (i32, i32) {
    %c0_i32 = arith.constant 0 : i32
    %c0_i32_0 = arith.constant 0 : i32
    return %arg0, %c0_i32 : i32, i32
  }
}

module attributes {stable_mosaic.version = 14 : i64} {
  func.func @body(%arg0: i32, %arg1: memref<2x256x128xf32, #tpu.memory_space<vmem>>, %arg2: memref<2x256x128xf32, #tpu.memory_space<vmem>>, %arg3: memref<1x128xf32, #tpu.memory_space<vmem>>, %arg4: memref<128x128xf32, #tpu.memory_space<vmem>>, %arg5: memref<256x128xf32, #tpu.memory_space<vmem>>, %arg6: memref<256x128xf32, #tpu.memory_space<vmem>>) attributes {dimension_semantics = [#tpu.dimension_semantics<arbitrary>], iteration_bounds = array<i64: 40>, scalar_prefetch = 0 : i64, scratch_operands = 0 : i64, tpu.core_type = #tpu.core_type<tc>, window_params = [{transform_indices = @transform_0, window_bounds = array<i64: 2, 256, 128>}, {transform_indices = @transform_1, window_bounds = array<i64: 2, 256, 128>}, {pipeline_mode = #tpu.pipeline_mode<synchronous>, transform_indices = @transform_2, window_bounds = array<i64: 1, 128>}, {pipeline_mode = #tpu.pipeline_mode<synchronous>, transform_indices = @transform_3, window_bounds = array<i64: 128, 128>}, {transform_indices = @transform_4, window_bounds = array<i64: 256, 128>}, {transform_indices = @transform_5, window_bounds = array<i64: 256, 128>}]} {
    %get3A = arith.constant 0 : index
    %get3A_0 = arith.constant 0 : index
    %get3A_1 = arith.constant 0 : index
    %get3A_2 = vector.load %arg2[%get3A, %get3A_0, %get3A_1] : memref<2x256x128xf32, #tpu.memory_space<vmem>>, vector<1x256x1xf32>
    %get3A_3 = vector.shape_cast %get3A_2 : vector<1x256x1xf32> to vector<256xf32>
    %get3A_4 = arith.constant 1 : index
    %get3A_5 = arith.constant 0 : index
    %get3A_6 = arith.constant 0 : index
    %get3A_7 = vector.load %arg2[%get3A_4, %get3A_5, %get3A_6] : memref<2x256x128xf32, #tpu.memory_space<vmem>>, vector<1x256x1xf32>
    %get3A_8 = vector.shape_cast %get3A_7 : vector<1x256x1xf32> to vector<256xf32>
    %add3A = arith.addf %get3A_3, %get3A_8 : vector<256xf32>
    %rsqrt3A = math.rsqrt %add3A : vector<256xf32>
    %broadcast_in_dim3A = vector.shape_cast %rsqrt3A : vector<256xf32> to vector<256x1xf32>
    %get3A_9 = arith.constant 0 : index
    %get3A_10 = arith.constant 0 : index
    %get3A_11 = arith.constant 0 : index
    %get3A_12 = vector.load %arg1[%get3A_9, %get3A_10, %get3A_11] : memref<2x256x128xf32, #tpu.memory_space<vmem>>, vector<1x256x128xf32>
    %get3A_13 = vector.shape_cast %get3A_12 : vector<1x256x128xf32> to vector<256x128xf32>
    %get3A_14 = arith.constant 1 : index
    %get3A_15 = arith.constant 0 : index
    %get3A_16 = arith.constant 0 : index
    %get3A_17 = vector.load %arg1[%get3A_14, %get3A_15, %get3A_16] : memref<2x256x128xf32, #tpu.memory_space<vmem>>, vector<1x256x128xf32>
    %get3A_18 = vector.shape_cast %get3A_17 : vector<1x256x128xf32> to vector<256x128xf32>
    %add3A_19 = arith.addf %get3A_13, %get3A_18 : vector<256x128xf32>
    %mul3A = vector.broadcast %broadcast_in_dim3A : vector<256x1xf32> to vector<256x128xf32>
    %mul3A_20 = arith.mulf %add3A_19, %mul3A : vector<256x128xf32>
    %get3A_21 = arith.constant 0 : index
    %get3A_22 = arith.constant 0 : index
    %get3A_23 = vector.load %arg3[%get3A_21, %get3A_22] : memref<1x128xf32, #tpu.memory_space<vmem>>, vector<1x128xf32>
    %add3A_24 = vector.broadcast %get3A_23 : vector<1x128xf32> to vector<256x128xf32>
    %add3A_25 = arith.addf %mul3A_20, %add3A_24 : vector<256x128xf32>
    %max3A = arith.constant 0.000000e+00 : f32
    %max3A_26 = vector.broadcast %max3A : f32 to vector<256x128xf32>
    %max3A_27 = arith.maximumf %add3A_25, %max3A_26 : vector<256x128xf32>
    %swap3A = arith.constant 0 : index
    %swap3A_28 = arith.constant 0 : index
    %swap3A_29 = vector.load %arg5[%swap3A, %swap3A_28] : memref<256x128xf32, #tpu.memory_space<vmem>>, vector<256x128xf32>
    tpu.vector_store %arg5[%swap3A, %swap3A_28], %max3A_27 {strides = array<i32>} : memref<256x128xf32, #tpu.memory_space<vmem>>, vector<256x128xf32>,
    %get3A_30 = arith.constant 0 : index
    %get3A_31 = arith.constant 0 : index
    %get3A_32 = vector.load %arg4[%get3A_30, %get3A_31] : memref<128x128xf32, #tpu.memory_space<vmem>>, vector<128x128xf32>
    %dot_general3A = arith.constant dense<0.000000e+00> : vector<256x128xf32>
    %dot_general3A_33 = tpu.matmul %max3A_27, %get3A_32, %dot_general3A {dimension_numbers = #tpu.dot_dimension_numbers<[1], [0], [0], [1], [0, 0, 1, 1], [], []>, transpose_lhs_hint = false} : vector<256x128xf32>, vector<128x128xf32>, vector<256x128xf32> -> vector<256x128xf32>
    %mul3A_34 = vector.broadcast %broadcast_in_dim3A : vector<256x1xf32> to vector<256x128xf32>
    %mul3A_35 = arith.mulf %dot_general3A_33, %mul3A_34 : vector<256x128xf32>
    %swap3A_36 = arith.constant 0 : index
    %swap3A_37 = arith.constant 0 : index
    %swap3A_38 = vector.load %arg6[%swap3A_36, %swap3A_37] : memref<256x128xf32, #tpu.memory_space<vmem>>, vector<256x128xf32>
    tpu.vector_store %arg6[%swap3A_36, %swap3A_37], %mul3A_35 {strides = array<i32>} : memref<256x128xf32, #tpu.memory_space<vmem>>, vector<256x128xf32>,
    return
  }
  func.func @transform_0(%arg0: i32) -> (i32, i32, i32) {
    %c0_i32 = arith.constant 0 : i32
    %c0_i32_0 = arith.constant 0 : i32
    %c0_i32_1 = arith.constant 0 : i32
    return %c0_i32, %arg0, %c0_i32_0 : i32, i32, i32
  }
  func.func @transform_1(%arg0: i32) -> (i32, i32, i32) {
    %c0_i32 = arith.constant 0 : i32
    %c0_i32_0 = arith.constant 0 : i32
    %c0_i32_1 = arith.constant 0 : i32
    return %c0_i32, %arg0, %c0_i32_0 : i32, i32, i32
  }
  func.func @transform_2(%arg0: i32) -> (i32, i32) {
    %c0_i32 = arith.constant 0 : i32
    %c0_i32_0 = arith.constant 0 : i32
    %c0_i32_1 = arith.constant 0 : i32
    return %c0_i32, %c0_i32_0 : i32, i32
  }
  func.func @transform_3(%arg0: i32) -> (i32, i32) {
    %c0_i32 = arith.constant 0 : i32
    %c0_i32_0 = arith.constant 0 : i32
    %c0_i32_1 = arith.constant 0 : i32
    return %c0_i32, %c0_i32_0 : i32, i32
  }
  func.func @transform_4(%arg0: i32) -> (i32, i32) {
    %c0_i32 = arith.constant 0 : i32
    %c0_i32_0 = arith.constant 0 : i32
    return %arg0, %c0_i32 : i32, i32
  }
  func.func @transform_5(%arg0: i32) -> (i32, i32) {
    %c0_i32 = arith.constant 0 : i32
    %c0_i32_0 = arith.constant 0 : i32
    return %arg0, %c0_i32 : i32, i32
  }
}

module attributes {stable_mosaic.version = 14 : i64} {
  func.func @body(%arg0: i32, %arg1: memref<2x256x128xf32, #tpu.memory_space<vmem>>, %arg2: memref<2x256x128xf32, #tpu.memory_space<vmem>>, %arg3: memref<1x128xf32, #tpu.memory_space<vmem>>, %arg4: memref<256x128xf32, #tpu.memory_space<vmem>>) attributes {dimension_semantics = [#tpu.dimension_semantics<arbitrary>], iteration_bounds = array<i64: 40>, scalar_prefetch = 0 : i64, scratch_operands = 0 : i64, tpu.core_type = #tpu.core_type<tc>, window_params = [{transform_indices = @transform_0, window_bounds = array<i64: 2, 256, 128>}, {transform_indices = @transform_1, window_bounds = array<i64: 2, 256, 128>}, {pipeline_mode = #tpu.pipeline_mode<synchronous>, transform_indices = @transform_2, window_bounds = array<i64: 1, 128>}, {transform_indices = @transform_3, window_bounds = array<i64: 256, 128>}]} {
    %get3A = arith.constant 0 : index
    %get3A_0 = arith.constant 0 : index
    %get3A_1 = arith.constant 0 : index
    %get3A_2 = vector.load %arg2[%get3A, %get3A_0, %get3A_1] : memref<2x256x128xf32, #tpu.memory_space<vmem>>, vector<1x256x1xf32>
    %get3A_3 = vector.shape_cast %get3A_2 : vector<1x256x1xf32> to vector<256xf32>
    %get3A_4 = arith.constant 1 : index
    %get3A_5 = arith.constant 0 : index
    %get3A_6 = arith.constant 0 : index
    %get3A_7 = vector.load %arg2[%get3A_4, %get3A_5, %get3A_6] : memref<2x256x128xf32, #tpu.memory_space<vmem>>, vector<1x256x1xf32>
    %get3A_8 = vector.shape_cast %get3A_7 : vector<1x256x1xf32> to vector<256xf32>
    %add3A = arith.addf %get3A_3, %get3A_8 : vector<256xf32>
    %rsqrt3A = math.rsqrt %add3A : vector<256xf32>
    %broadcast_in_dim3A = vector.shape_cast %rsqrt3A : vector<256xf32> to vector<256x1xf32>
    %get3A_9 = arith.constant 0 : index
    %get3A_10 = arith.constant 0 : index
    %get3A_11 = arith.constant 0 : index
    %get3A_12 = vector.load %arg1[%get3A_9, %get3A_10, %get3A_11] : memref<2x256x128xf32, #tpu.memory_space<vmem>>, vector<1x256x128xf32>
    %get3A_13 = vector.shape_cast %get3A_12 : vector<1x256x128xf32> to vector<256x128xf32>
    %get3A_14 = arith.constant 1 : index
    %get3A_15 = arith.constant 0 : index
    %get3A_16 = arith.constant 0 : index
    %get3A_17 = vector.load %arg1[%get3A_14, %get3A_15, %get3A_16] : memref<2x256x128xf32, #tpu.memory_space<vmem>>, vector<1x256x128xf32>
    %get3A_18 = vector.shape_cast %get3A_17 : vector<1x256x128xf32> to vector<256x128xf32>
    %add3A_19 = arith.addf %get3A_13, %get3A_18 : vector<256x128xf32>
    %mul3A = vector.broadcast %broadcast_in_dim3A : vector<256x1xf32> to vector<256x128xf32>
    %mul3A_20 = arith.mulf %add3A_19, %mul3A : vector<256x128xf32>
    %get3A_21 = arith.constant 0 : index
    %get3A_22 = arith.constant 0 : index
    %get3A_23 = vector.load %arg3[%get3A_21, %get3A_22] : memref<1x128xf32, #tpu.memory_space<vmem>>, vector<1x128xf32>
    %add3A_24 = vector.broadcast %get3A_23 : vector<1x128xf32> to vector<256x128xf32>
    %add3A_25 = arith.addf %mul3A_20, %add3A_24 : vector<256x128xf32>
    %swap3A = arith.constant 0 : index
    %swap3A_26 = arith.constant 0 : index
    %swap3A_27 = vector.load %arg4[%swap3A, %swap3A_26] : memref<256x128xf32, #tpu.memory_space<vmem>>, vector<256x128xf32>
    tpu.vector_store %arg4[%swap3A, %swap3A_26], %add3A_25 {strides = array<i32>} : memref<256x128xf32, #tpu.memory_space<vmem>>, vector<256x128xf32>,
    return
  }
  func.func @transform_0(%arg0: i32) -> (i32, i32, i32) {
    %c0_i32 = arith.constant 0 : i32
    %c0_i32_0 = arith.constant 0 : i32
    %c0_i32_1 = arith.constant 0 : i32
    return %c0_i32, %arg0, %c0_i32_0 : i32, i32, i32
  }
  func.func @transform_1(%arg0: i32) -> (i32, i32, i32) {
    %c0_i32 = arith.constant 0 : i32
    %c0_i32_0 = arith.constant 0 : i32
    %c0_i32_1 = arith.constant 0 : i32
    return %c0_i32, %arg0, %c0_i32_0 : i32, i32, i32
  }
  func.func @transform_2(%arg0: i32) -> (i32, i32) {
    %c0_i32 = arith.constant 0 : i32
    %c0_i32_0 = arith.constant 0 : i32
    %c0_i32_1 = arith.constant 0 : i32
    return %c0_i32, %c0_i32_0 : i32, i32
  }
  func.func @transform_3(%arg0: i32) -> (i32, i32) {
    %c0_i32 = arith.constant 0 : i32
    %c0_i32_0 = arith.constant 0 : i32
    return %arg0, %c0_i32 : i32, i32
  }
}

</mosaic_0001>

<sc_bundles>
// kernel: kernel.11.cloned.1.call-start
scs
__scs_entry_jumppad:
0x0: {  	(pc) =	sbr.rel $0x88, $3  }
0x1: {  	(tag) =	ssettag $0x0;
	lr =	simm.s32 $0x1  }
0x2: {  	[smem:$0x3F9B] =	sst lr;
	_ =	strace $0xD0000000  }
0x3: {  	_ = 	snop  }
0x4: {  	_ = 	snop  }
0x5: {  	_ = 	snop  }
0x6: {  	_ = 	snop  }
0x7: {  	_ = 	snop  }
__scs_overlays_trampoline_lowered:
0x8: {  	[smem:$0x3FAA] =	sst s0  }
0x9: {  	[smem:$0x3FAB] =	sst s1  }
0xa: {  	[smem:$0x3FAC] =	sst s2  }
0xb: {  	[smem:$0x3FAD] =	sst s3  }
0xc: {  	[smem:$0x3FAE] =	sst s4  }
0xd: {  	[smem:$0x3FAF] =	sst s5  }
0xe: {  	[smem:$0x3FB0] =	sst s6  }
0xf: {  	[smem:$0x3FB1] =	sst s7  }
0x10: {  	[smem:$0x3FB2] =	sst s8  }
0x11: {  	[smem:$0x3FB3] =	sst s9;
	s0 =	simm.s32 @!p0 $0x0  }
0x12: {  	s1 =	sld [smem:$0x3F99];
	s0 =	simm.s32 @p0 $0x1  }
0x13: {  	[smem:$0x3FB4] =	sst s0;
	s0 =	simm.s32 @!p1 $0x0  }
0x14: {  	s2 =	sld [smem:$0x3F98];
	s0 =	simm.s32 @p1 $0x1  }
0x15: {  	[smem:$0x3FB5] =	sst s0;
	s0 =	simm.s32 @!p2 $0x0  }
0x16: {  	s3 =	sld [smem:$0x3FDB];
	s0 =	simm.s32 @p2 $0x1  }
0x17: {  	s4 =	simm.s32 $0x1BF5;
	[smem:$0x3FB7] =	sst s0  }
0x18: {  	s0 =	sld [smem:$0x3F9A];
	_ =	swait.ge [sflag:s4], $0x0  }
0x19: {  	s7 =	sld [smem:$0x3F9B]  }
0x1a: {  	s8 =	sadd.s32 $0xFFFFE003, lr  }
0x1b: {  	s9 =	sadd.s32 $0xFFFFFEF7, lr;
	s5 =	simm.s32 $0xFFFFFFFF;
	p2 =	slt.u32 s8, $0xFFFFF086  }
0x1c: {  	p1 =	slt.u32 s9, $0xF7A;
	s5 =	simm.s32 @!p2 $0x0  }
0x1d: {  	s5 =	simm.s32 @p1 $0x1;
	p0 =	seq.s32 s7, s2  }
0x1e: {  	s7 =	smul.u32 @!p0 $0xF7A, s2;
	p2 =	seq.s32 @!p0 s5, $0x0  }
0x1f: {  	s9 =	smul.u32 $0xF7A, s1;
	s8 =	simm.s32 @!p0 $0x1BF5;
	p2 =	por !p2, p0  }
0x20: {  	[sflag:s8] =	ssyncset.s32 @!p0 $0xFFFFF086;
	s6 =	sadd.s32 @!p0 s3, s7;
	s7 =	simm.s32 @!p0 $0x108  }
0x21: {  	s3 =	sadd.s32 s3, s9;
	s6 =	sadd.s32 @!p0 $0x88, s6;
	s7 =	simm.s32 @p2 $0x1082  }
0x22: {  	[simem:s7], [sflag:s8] =	dma.local @!p0 [hbm:s6], $0xF7A  }
0x23: {  	s9 =	sor.u32 $0xD0000000, s2;
	s6 =	simm.s32 $0x108;
	_ =	swait.ge @!p0 [sflag:s8], $0x0  }
0x24: {  	s3 =	sadd.s32 $0x88, s3;
	s6 =	simm.s32 @!p1 $0x1082;
	[sflag:s4] =	ssyncset.s32 $0xFFFFF086  }
0x25: {  	[simem:s6], [sflag:s4] =	dma.local [hbm:s3], $0xF7A  }
0x26: {  	[smem:$0x3F9B] =	sst s1;
	(tag) =	ssettag s2;
	_ =	strace s9  }
0x27: {  	s1 =	sld [smem:$0x3FAB]  }
0x28: {  	s2 =	sld [smem:$0x3FAC]  }
0x29: {  	s4 =	sld [smem:$0x3FAE]  }
0x2a: {  	p0 =	seq.s32 s5, $0x0;
	s5 =	sld [smem:$0x3FAF]  }
0x2b: {  	s6 =	sld [smem:$0x3FB0]  }
0x2c: {  	s7 =	sld [smem:$0x3FB1]  }
0x2d: {  	s3 =	simm.s32 $0x108;
	s8 =	sld [smem:$0x3FB2]  }
0x2e: {  	s3 =	simm.s32 @!p0 $0x1082;
	s9 =	sld [smem:$0x3FB3]  }
0x2f: {  	lr =	sadd.s32 s0, s3;
	s0 =	sld [smem:$0x3FAA]  }
0x30: {  	s3 =	sld [smem:$0x3FAD]  }
0x31: {  	[smem:$0x3FB6] =	sst s10  }
0x32: {  	s10 =	sld [smem:$0x3FB4];
	_ =	sdelay $0x3  }
0x33: {  	p0 =	seq.s32 s10, $0x1;
	s10 =	sld [smem:$0x3FB6];
	_ =	sdelay $0x3  }
0x34: {  	[smem:$0x3FB6] =	sst s10  }
0x35: {  	s10 =	sld [smem:$0x3FB5];
	_ =	sdelay $0x3  }
0x36: {  	p1 =	seq.s32 s10, $0x1;
	s10 =	sld [smem:$0x3FB6];
	_ =	sdelay $0x3  }
0x37: {  	[smem:$0x3FB6] =	sst s10  }
0x38: {  	s10 =	sld [smem:$0x3FB7]  }
0x39: {  	_ = 	snop;
	(pc) =	sbr.ind lr, $3  }
0x3a: {  	_ = 	snop  }
0x3b: {  	_ = 	snop  }
0x3c: {  	p2 =	seq.s32 s10, $0x1;
	s10 =	sld [smem:$0x3FB6]  }
0x3d: {  	_ =	shalt  }
0x3e: {  	_ =	shalt  }
0x3f: {  	_ =	shalt  }
0x40: {  	_ =	shalt  }
0x41: {  	_ =	shalt  }
0x42: {  	_ =	shalt  }
0x43: {  	_ =	shalt  }
0x44: {  	_ =	shalt  }
0x45: {  	_ =	shalt  }
0x46: {  	_ =	shalt  }
0x47: {  	_ =	shalt  }
0x48: {  	_ =	shalt  }
0x49: {  	_ =	shalt  }
0x4a: {  	_ =	shalt  }
0x4b: {  	_ =	shalt  }
0x4c: {  	_ =	shalt  }
0x4d: {  	_ =	shalt  }
0x4e: {  	_ =	shalt  }
0x4f: {  	_ =	shalt  }
0x50: {  	_ =	shalt  }
0x51: {  	_ =	shalt  }
0x52: {  	_ =	shalt  }
0x53: {  	_ =	shalt  }
0x54: {  	_ =	shalt  }
0x55: {  	_ =	shalt  }
0x56: {  	_ =	shalt  }
0x57: {  	_ =	shalt  }
0x58: {  	_ =	shalt  }
0x59: {  	_ =	shalt  }
0x5a: {  	_ =	shalt  }
0x5b: {  	_ =	shalt  }
0x5c: {  	_ =	shalt  }
0x5d: {  	_ =	shalt  }
0x5e: {  	_ =	shalt  }
0x5f: {  	_ =	shalt  }
0x60: {  	_ =	shalt  }
0x61: {  	_ =	shalt  }
0x62: {  	_ =	shalt  }
0x63: {  	_ =	shalt  }
0x64: {  	_ =	shalt  }
0x65: {  	_ =	shalt  }
0x66: {  	_ =	shalt  }
0x67: {  	_ =	shalt  }
0x68: {  	_ =	shalt  }
0x69: {  	_ =	shalt  }
0x6a: {  	_ =	shalt  }
0x6b: {  	_ =	shalt  }
0x6c: {  	_ =	shalt  }
0x6d: {  	_ =	shalt  }
0x6e: {  	_ =	shalt  }
0x6f: {  	_ =	shalt  }
0x70: {  	_ =	shalt  }
0x71: {  	_ =	shalt  }
0x72: {  	_ =	shalt  }
0x73: {  	_ =	shalt  }
0x74: {  	_ =	shalt  }
0x75: {  	_ =	shalt  }
0x76: {  	_ =	shalt  }
0x77: {  	_ =	shalt  }
0x78: {  	_ =	shalt  }
0x79: {  	_ =	shalt  }
0x7a: {  	_ =	shalt  }
0x7b: {  	_ =	shalt  }
0x7c: {  	_ =	shalt  }
0x7d: {  	_ =	shalt  }
0x7e: {  	_ =	shalt  }
0x7f: {  	_ =	shalt  }
0x80: {  	_ =	shalt  }
0x81: {  	_ =	shalt  }
0x82: {  	_ =	shalt  }
0x83: {  	_ =	shalt  }
0x84: {  	_ =	shalt  }
0x85: {  	_ =	shalt  }
0x86: {  	_ =	shalt  }
0x87: {  	_ =	shalt  }
.Lfunc_end0:
.L_simem_size_0:
called_computation.1_lowered:
.L_overlay_start_0:
0x88: {  	s2 =	sld [smem:$0x3FD9]  }
0x89: {  	s3 =	sld [smem:$0x3FFE];
	_ =	sdelay $0x1  }
0x8a: {  	s1 =	srdreg.scid  }
0x8b: {  	s0 =	sand.u32 $0x1, s1  }
0x8c: {  	s14 =	sshll.u32 s0, $0xA;
	s2 =	sadd.s32 s3, s2  }
0x8d: {  	s2 =	sadd.s32 s2, s14  }
0x8e: {  	[smem:$0x3FC2] =	sst s2  }
0x8f: {  	_ = 	snop  }
0x90: {  	s2 =	sld [smem:$0x3FD0];
	_ =	sdelay $0x2  }
0x91: {  	s15 =	simm.s32 $0xA;
	s4 =	simm.s32 $0x10  }
0x92: {  	[smem:s4], [sflag:s15] =	dma.local [hbm:s2], $0x1  }
0x93: {  	_ =	swait.eq [sflag:s15], $0x1  }
0x94: {  	[sflag:s15] =	ssyncset.done $0x0  }
0x95: {  	[sflag:s15] =	ssyncadd.s32 $0xFFFFFFFF  }
0x96: {  	s16 =	sld [smem:$0x10];
	(tm) =	ssettm $0x1  }
0x97: {  	s17 =	sld [smem:$0x3FFB];
	_ =	sdelay $0x3  }
0x98: {  	_ =	strace s17  }
0x99: {  	s3 =	sld [smem:$0x3FFC];
	_ =	sdelay $0x3  }
0x9a: {  	_ =	strace s3  }
0x9b: {  	s3 =	sld [smem:$0x3FFD];
	_ =	sdelay $0x3  }
0x9c: {  	_ =	strace s3  }
0x9d: {  	_ =	strace $0x8FFFFFFF  }
0x9e: {  	s18 =	sld [smem:$0x3FDB];
	_ =	sdelay $0x1  }
0x9f: {  	s19 =	simm.s32 $_scs_section_size  }
0xa0: {  	s5 =	simm.s32 $_size__tile_overlayer_lowered;
	s6 =	simm.s32 $_tile_overlayer_lowered  }
0xa1: {  	s22 =	simm.s32 $0x1BFF;
	s21 =	sshll.u32 s6, $0x1;
	s3 =	sadd.s32 s19, s18  }
0xa2: {  	s7 =	simm.s32 $0x0;
	s20 =	sshll.u32 s5, $0x1;
	s5 =	sadd.s32 s21, s3  }
0xa3: {  	[timem:s7], [sflag:s22] =	dma.local [hbm:s5], s20  }
0xa4: {  	_ =	swait.ge [sflag:s22], s20  }
0xa5: {  	s4 =	ssub.s32 $0x0, s20;
	[sflag:s22] =	ssyncset.done $0x0  }
0xa6: {  	[sflag:s22] =	ssyncadd.s32 s4;
	_ =	sdelay $0x1  }
0xa7: {  	s23 =	simm.s32 $0x1B8B  }
0xa8: {  	_ =	swait.ge [sflag:s23], $0x1  }
0xa9: {  	[sflag:s23] =	ssyncset.done $0x0  }
0xaa: {  	s25 =	simm.s32 $0x1B8E;
	s24 =	sld [smem:$0x3FFE];
	[sflag:s23] =	ssyncadd.s32 $0xFFFFFFFF  }
0xab: {  	s26 =	simm.s32 $execute0_lowered;
	[smem:$0x3FD2] =	sst s25  }
0xac: {  	s5 =	sshll.u32 s26, $0x1;
	_ =	strace $0x80000049;
	[dreg:$0x1] =	wrdreg $0xFFFFFFFF  }
0xad: {  	s28 =	simm.s32 $_size_execute0_lowered;
	s3 =	sadd.s32 s3, s5;
	[dreg:$0x0] =	wrdreg $0x0  }
0xae: {  	s5 =	sshll.u32 s28, $0x1;
	[dreg:$0x2] =	wrdreg s3  }
0xaf: {  	[dreg:$0x3] =	wrdreg s5  }
0xb0: {  	[dreg:$0x4] =	wrdreg $0xC0  }
0xb1: {  	_ =	task [dreg:s7], $0x5FFFF  }
0xb2: {  	[dreg:$0x1] =	wrdreg $0xFFFFFFFF  }
0xb3: {  	[dreg:$0x0] =	wrdreg $0x60  }
0xb4: {  	[dreg:$0x2] =	wrdreg s24  }
0xb5: {  	[dreg:$0x3] =	wrdreg s16  }
0xb6: {  	[dreg:$0x4] =	wrdreg $0x98000  }
0xb7: {  	[dreg:$0x5] =	wrdreg $0x9  }
0xb8: {  	_ =	task.clear_ibuf [dreg:s7], $0x6FFFF;
	_ =	strace $0x90000049  }
0xb9: {  	s29 =	simm.s32 $0x9;
	_ =	strace $0x8000004B  }
0xba: {  	_ =	swait.ge [sflag:s29], $0x1  }
0xbb: {  	[sflag:s29] =	ssyncadd.s32 $0xFFFFFFFF  }
0xbc: {  	_ =	strace $0x9000004B  }
0xbd: {  	_ =	sfence  }
0xbe: {  	s30 =	sld [smem:$0x0];
	_ =	sdelay $0x2  }
0xbf: {  	s31 =	sshll.u32 s1, $0xD;
	s1 =	sshrl.u32 s1, $0x2  }
0xc0: {  	s3 =	sand.u32 $0x4000, s31;
	s1 =	sadd.s32 s1, s30  }
0xc1: {  	s0 =	sor.u32 s3, s0;
	s1 =	sshll.u32 s1, $0x11  }
0xc2: {  	s0 =	sor.u32 s1, s0  }
0xc3: {  	s0 =	sadd.s32 $0x8F2B, s0  }
0xc4: {  	[sflag:s0] =	ssyncadd.remote.s32 $0x1  }
0xc5: {  	_ =	sfence.sel $0xFFFF  }
0xc6: {  	[dreg:$0x0] =	wrdreg $0xFFFFFFFF;
	(pc) =	sbr.abs _section_cstart, $3  }
0xc7: {  	[dreg:$0x1] =	wrdreg $0xFFFFFFFF  }
0xc8: {  	_ =	task.clear_ibuf [dreg:s7], $0x2FFFF;
	_ =	strace $0x9FFFFFFF  }
0xc9: {  	(tm) =	ssettm $0x7FFFFFFF  }
tec
execute0_lowered:
.L_overlay_start_1:
0x0: {  	(tag) =	ssettag $0x1  }
0x1: {  	s5 =	rddreg [dreg:$0x0]  }
0x2: {  	s1 =	srdreg.scid;
	s7 =	rddreg [dreg:$0x1]  }
0x3: {  	s0 =	stileid.u32;
	s2 =	rddreg [dreg:$0x2];
	s3 =	simm.s32 $0x0  }
0x4: {  	s15 =	simm.s32 $0x5800;
	s16 =	simm.s32 $0x1;
	s17 =	simm.s32 $0x0  }
0x5: {  	s6 =	sand.u32 $0x1, s1;
	s26 =	sshll.u32 s0, $0x1;
	s10 =	smul.u32 $0x14000, s0  }
0x6: {  	[smem:$0x7FF] =	sst s3;
	s4 =	sadd.s32 $0x29800, s5;
	s12 =	smul.u32 $0x50000, s0  }
0x7: {  	s13 =	sadd.s32 $0x1800, s5;
	s14 =	smul.u32 $0x2800, s0;
	s31 =	sshll.u32 s0, $0x6  }
0x8: {  	s1 =	sor.u32 s6, s26;
	s9 =	smul.u32 $0x140000, s6;
	s28 =	ssub.s32 $0x2, s6  }
0x9: {  	p0 =	seq.s32 s6, $0x0;
	s8 =	smul.u32 $0x580, s1;
	s1 =	rddreg [dreg:$0x3]  }
0xa: {  	_ =	strace $0x8000004A;
	s29 =	sshrl.u32 s28, $0x1;
	s30 =	sshrl.u32 s12, $0x2  }
0xb: {  	s13 =	smov.u32 @p0 s4;
	s9 =	sadd.s32 s10, s9;
	s10 =	ssub.s32 s28, s29  }
0xc: {  	s12 =	sadd.s32 s30, s2;
	s11 =	sadd.s32 s8, s5;
	s9 =	sshrl.u32 s9, $0x3  }
0xd: {  	s12 =	sshrl.u32 s12, $0x3;
	s9 =	sadd.s32 s9, s5;
	s5 =	sadd.s32 s7, s8  }
0xe: {  	s6 =	sadd.s32 $0xA1800, s11;
	s8 =	smax.u32 s10, $0x1;
	s10 =	sadd.s32 s13, s14  }
0xf: {  	s11 =	sor.u32 $0x1C02, s31;
	s7 =	sadd.s32 $0xAC800, s9;
	s9 =	simm.s32 $0x4B  }
0x10: {  	s13 =	simm.s32 $0x2;
	s14 =	simm.s32 $0x80;
	s9 =	simm.s32 @!p0 $0x52  }
.LBB2_1:
0x11: {  	[spmem:s12], [sflag:s11] =	dma.local [hbm:s10], $0x2800  }
0x12: {  	_ =	swait.ge [sflag:s13], $0x2800  }
0x13: {  	[sflag:s13] =	ssyncset.done $0x0  }
0x14: {  	[sflag:s13] =	ssyncadd.s32 $0xFFFFD800  }
0x15: {  	[tilespmem:s3], [sflag:$0x2] =	stream.linear.gather [hbm4b:s5+s3], $0x2900, $0x38;
	[tilespmem:$0x1D800] =	vst v63  }
0x16: {  	_ =	swait.ge [sflag:s13], $0x2900  }
0x17: {  	[sflag:s13] =	ssyncset.done $0x0  }
0x18: {  	s18 =	simm.s32 $0x2C00;
	[sflag:s13] =	ssyncadd.s32 $0xFFFFD700  }
0x19: {  	[tilespmem:s18], [sflag:$0x2] =	stream.linear.gather [hbm4b:s6+s3], $0x2900, $0x38;
	[tilespmem:$0x1D800] =	vst v63  }
0x1a: {  	_ =	swait.ge [sflag:s13], $0x2900  }
0x1b: {  	[sflag:s13] =	ssyncset.done $0x0  }
0x1c: {  	[sflag:s13] =	ssyncadd.s32 $0xFFFFD700  }
0x1d: {  	[bflag:$0x0] =	sbarrier.arrive $0xFFFF  }
0x1e: {  	[tilespmem:s15], [sflag:$0x1] =	stream.indirect.gather [hbm4b:s4+s14], $0x80, s3, s14, $0xb8;
	[tilespmem:$0x1D800] =	vst v63  }
0x1f: {  	p0 =	sne.s32 s9, $0x1;
	_ =	swait.ge [sflag:s16], $0x4000  }
.Ltmp0:
0x20: {  	[sflag:s16] =	ssyncset.done $0x0;
	(pc) =	sbr.rel @!p0 .LBB2_3-.Ltmp0, $4  }
0x21: {  	[sflag:s16] =	ssyncadd.s32 $0xFFFFC000  }
0x22: {  	[spmem:s2] =	stream.indirect.scatter.add.f32 [tilespmem:s15], [sflag:$0x2], $0x80, s18, s14, $0xb8;
	[tilespmem:$0x1D800] =	vst v63  }
0x23: {  	_ =	swait.ge [sflag:s13], $0x4000  }
0x24: {  	s19 =	sadd.s32 $0xFFFFFFFF, s9;
	s20 =	simm.s32 $0x0;
	[sflag:s13] =	ssyncset.done $0x0  }
.LBB2_2:
0x25: {  	[sflag:s13] =	ssyncadd.s32 $0xFFFFC000;
	s20 =	sadd.s32 $0x80, s20;
	s18 =	sadd.s32 $0x80, s18  }
0x26: {  	[tilespmem:s15], [sflag:$0x1] =	stream.indirect.gather [hbm4b:s4+s14], $0x80, s20, s14, $0xb8;
	[tilespmem:$0x1D800] =	vst v63  }
0x27: {  	p0 =	sne.s32 s19, $0x1;
	s19 =	sadd.s32 $0xFFFFFFFF, s19;
	_ =	swait.ge [sflag:s16], $0x4000  }
.Ltmp1:
0x28: {  	[sflag:s16] =	ssyncset.done $0x0;
	(pc) =	sbr.rel @p0 .LBB2_2-.Ltmp1, $4  }
0x29: {  	[sflag:s16] =	ssyncadd.s32 $0xFFFFC000  }
0x2a: {  	[spmem:s2] =	stream.indirect.scatter.add.f32 [tilespmem:s15], [sflag:$0x2], $0x80, s18, s14, $0xb8;
	[tilespmem:$0x1D800] =	vst v63  }
0x2b: {  	_ =	swait.ge [sflag:s13], $0x4000  }
0x2c: {  	[sflag:s13] =	ssyncset.done $0x0  }
.LBB2_3:
0x2d: {  	s17 =	sadd.s32 $0x1, s17  }
0x2e: {  	[sflag:s13] =	ssyncadd.s32 $0xFFFFC000;
	p0 =	sne.s32 s17, s8  }
.Ltmp2:
0x2f: {  	[bflag:$0x0] =	sbarrier.arrive $0xFFFF;
	(pc) =	sbr.rel @p0 .LBB2_1-.Ltmp2, $4  }
0x30: {  	[hbm:s7], [sflag:s11] =	dma.local [spmem:s12], $0x2800  }
0x31: {  	_ =	swait.ge [sflag:s13], $0x2800  }
0x32: {  	[sflag:s13] =	ssyncset.done $0x0  }
0x33: {  	[sflag:s13] =	ssyncadd.s32 $0xFFFFD800  }
0x34: {  	_ =	sfence.sel $0x180000  }
0x35: {  	[bflag:$0x0] =	sbarrier.arrive $0xFFFF  }
0x36: {  	p0 =	sne.s32 s0, $0x0;
	_ =	strace $0x9000004A  }
0x37: {  	s0 =	sadd.s32 @!p0 $0x100000, s1;
	[bflag:$0x2] =	sbarrier.arrive $0xFFFF  }
0x38: {  	[sflag:s0] =	ssyncadd.tile.s32 @!p0 $0x1;
	_ =	shalt  }
.Lfunc_end2:
_tile_overlayer_lowered:
.L_overlay_start_2:
0x39: {  	(tag) =	ssettag $0x2  }
0x3a: {  	s0 =	rddreg [dreg:$0x0];
	s2 =	stileid.u32  }
0x3b: {  	s1 =	rddreg [dreg:$0x1];
	p0 =	sne.s32 s2, $0x0  }
0x3c: {  	s3 =	rddreg [dreg:$0x2];
	[bflag:$0x3] =	sbarrier.arrive $0xFFFF;
	s2 =	simm.s32 @!p0 $0x1C02  }
0x3d: {  	[timem:s3], [sflag:s2] =	dma.local @!p0 [hbm:s0], s1  }
0x3e: {  	s0 =	simm.s32 @!p0 $0x2  }
0x3f: {  	_ =	swait.ge @!p0 [sflag:s0], s1  }
0x40: {  	s1 =	ssub.s32 @!p0 $0x0, s1;
	[sflag:s0] =	ssyncset.done @!p0 $0x0  }
0x41: {  	[sflag:s0] =	ssyncadd.s32 @!p0 s1  }
0x42: {  	[bflag:$0x3] =	sbarrier.arrive $0xFFFF  }
0x43: {  	_ =	shalt  }

// kernel: kernel.14.cloned.1.call-start
scs
__scs_entry_jumppad:
0x0: {  	(pc) =	sbr.rel $0x88, $3  }
0x1: {  	(tag) =	ssettag $0x0;
	lr =	simm.s32 $0x1  }
0x2: {  	[smem:$0x3F9B] =	sst lr;
	_ =	strace $0xD0000000  }
0x3: {  	_ = 	snop  }
0x4: {  	_ = 	snop  }
0x5: {  	_ = 	snop  }
0x6: {  	_ = 	snop  }
0x7: {  	_ = 	snop  }
__scs_overlays_trampoline_lowered:
0x8: {  	[smem:$0x3FAA] =	sst s0  }
0x9: {  	[smem:$0x3FAB] =	sst s1  }
0xa: {  	[smem:$0x3FAC] =	sst s2  }
0xb: {  	[smem:$0x3FAD] =	sst s3  }
0xc: {  	[smem:$0x3FAE] =	sst s4  }
0xd: {  	[smem:$0x3FAF] =	sst s5  }
0xe: {  	[smem:$0x3FB0] =	sst s6  }
0xf: {  	[smem:$0x3FB1] =	sst s7  }
0x10: {  	[smem:$0x3FB2] =	sst s8  }
0x11: {  	[smem:$0x3FB3] =	sst s9;
	s0 =	simm.s32 @!p0 $0x0  }
0x12: {  	s1 =	sld [smem:$0x3F99];
	s0 =	simm.s32 @p0 $0x1  }
0x13: {  	[smem:$0x3FB4] =	sst s0;
	s0 =	simm.s32 @!p1 $0x0  }
0x14: {  	s2 =	sld [smem:$0x3F98];
	s0 =	simm.s32 @p1 $0x1  }
0x15: {  	[smem:$0x3FB5] =	sst s0;
	s0 =	simm.s32 @!p2 $0x0  }
0x16: {  	s3 =	sld [smem:$0x3FDB];
	s0 =	simm.s32 @p2 $0x1  }
0x17: {  	s4 =	simm.s32 $0x1BF5;
	[smem:$0x3FB7] =	sst s0  }
0x18: {  	s0 =	sld [smem:$0x3F9A];
	_ =	swait.ge [sflag:s4], $0x0  }
0x19: {  	s7 =	sld [smem:$0x3F9B]  }
0x1a: {  	s8 =	sadd.s32 $0xFFFFE003, lr  }
0x1b: {  	s9 =	sadd.s32 $0xFFFFFEF7, lr;
	s5 =	simm.s32 $0xFFFFFFFF;
	p2 =	slt.u32 s8, $0xFFFFF086  }
0x1c: {  	p1 =	slt.u32 s9, $0xF7A;
	s5 =	simm.s32 @!p2 $0x0  }
0x1d: {  	s5 =	simm.s32 @p1 $0x1;
	p0 =	seq.s32 s7, s2  }
0x1e: {  	s7 =	smul.u32 @!p0 $0xF7A, s2;
	p2 =	seq.s32 @!p0 s5, $0x0  }
0x1f: {  	s9 =	smul.u32 $0xF7A, s1;
	s8 =	simm.s32 @!p0 $0x1BF5;
	p2 =	por !p2, p0  }
0x20: {  	[sflag:s8] =	ssyncset.s32 @!p0 $0xFFFFF086;
	s6 =	sadd.s32 @!p0 s3, s7;
	s7 =	simm.s32 @!p0 $0x108  }
0x21: {  	s3 =	sadd.s32 s3, s9;
	s6 =	sadd.s32 @!p0 $0x88, s6;
	s7 =	simm.s32 @p2 $0x1082  }
0x22: {  	[simem:s7], [sflag:s8] =	dma.local @!p0 [hbm:s6], $0xF7A  }
0x23: {  	s9 =	sor.u32 $0xD0000000, s2;
	s6 =	simm.s32 $0x108;
	_ =	swait.ge @!p0 [sflag:s8], $0x0  }
0x24: {  	s3 =	sadd.s32 $0x88, s3;
	s6 =	simm.s32 @!p1 $0x1082;
	[sflag:s4] =	ssyncset.s32 $0xFFFFF086  }
0x25: {  	[simem:s6], [sflag:s4] =	dma.local [hbm:s3], $0xF7A  }
0x26: {  	[smem:$0x3F9B] =	sst s1;
	(tag) =	ssettag s2;
	_ =	strace s9  }
0x27: {  	s1 =	sld [smem:$0x3FAB]  }
0x28: {  	s2 =	sld [smem:$0x3FAC]  }
0x29: {  	s4 =	sld [smem:$0x3FAE]  }
0x2a: {  	p0 =	seq.s32 s5, $0x0;
	s5 =	sld [smem:$0x3FAF]  }
0x2b: {  	s6 =	sld [smem:$0x3FB0]  }
0x2c: {  	s7 =	sld [smem:$0x3FB1]  }
0x2d: {  	s3 =	simm.s32 $0x108;
	s8 =	sld [smem:$0x3FB2]  }
0x2e: {  	s3 =	simm.s32 @!p0 $0x1082;
	s9 =	sld [smem:$0x3FB3]  }
0x2f: {  	lr =	sadd.s32 s0, s3;
	s0 =	sld [smem:$0x3FAA]  }
0x30: {  	s3 =	sld [smem:$0x3FAD]  }
0x31: {  	[smem:$0x3FB6] =	sst s10  }
0x32: {  	s10 =	sld [smem:$0x3FB4];
	_ =	sdelay $0x3  }
0x33: {  	p0 =	seq.s32 s10, $0x1;
	s10 =	sld [smem:$0x3FB6];
	_ =	sdelay $0x3  }
0x34: {  	[smem:$0x3FB6] =	sst s10  }
0x35: {  	s10 =	sld [smem:$0x3FB5];
	_ =	sdelay $0x3  }
0x36: {  	p1 =	seq.s32 s10, $0x1;
	s10 =	sld [smem:$0x3FB6];
	_ =	sdelay $0x3  }
0x37: {  	[smem:$0x3FB6] =	sst s10  }
0x38: {  	s10 =	sld [smem:$0x3FB7]  }
0x39: {  	_ = 	snop;
	(pc) =	sbr.ind lr, $3  }
0x3a: {  	_ = 	snop  }
0x3b: {  	_ = 	snop  }
0x3c: {  	p2 =	seq.s32 s10, $0x1;
	s10 =	sld [smem:$0x3FB6]  }
0x3d: {  	_ =	shalt  }
0x3e: {  	_ =	shalt  }
0x3f: {  	_ =	shalt  }
0x40: {  	_ =	shalt  }
0x41: {  	_ =	shalt  }
0x42: {  	_ =	shalt  }
0x43: {  	_ =	shalt  }
0x44: {  	_ =	shalt  }
0x45: {  	_ =	shalt  }
0x46: {  	_ =	shalt  }
0x47: {  	_ =	shalt  }
0x48: {  	_ =	shalt  }
0x49: {  	_ =	shalt  }
0x4a: {  	_ =	shalt  }
0x4b: {  	_ =	shalt  }
0x4c: {  	_ =	shalt  }
0x4d: {  	_ =	shalt  }
0x4e: {  	_ =	shalt  }
0x4f: {  	_ =	shalt  }
0x50: {  	_ =	shalt  }
0x51: {  	_ =	shalt  }
0x52: {  	_ =	shalt  }
0x53: {  	_ =	shalt  }
0x54: {  	_ =	shalt  }
0x55: {  	_ =	shalt  }
0x56: {  	_ =	shalt  }
0x57: {  	_ =	shalt  }
0x58: {  	_ =	shalt  }
0x59: {  	_ =	shalt  }
0x5a: {  	_ =	shalt  }
0x5b: {  	_ =	shalt  }
0x5c: {  	_ =	shalt  }
0x5d: {  	_ =	shalt  }
0x5e: {  	_ =	shalt  }
0x5f: {  	_ =	shalt  }
0x60: {  	_ =	shalt  }
0x61: {  	_ =	shalt  }
0x62: {  	_ =	shalt  }
0x63: {  	_ =	shalt  }
0x64: {  	_ =	shalt  }
0x65: {  	_ =	shalt  }
0x66: {  	_ =	shalt  }
0x67: {  	_ =	shalt  }
0x68: {  	_ =	shalt  }
0x69: {  	_ =	shalt  }
0x6a: {  	_ =	shalt  }
0x6b: {  	_ =	shalt  }
0x6c: {  	_ =	shalt  }
0x6d: {  	_ =	shalt  }
0x6e: {  	_ =	shalt  }
0x6f: {  	_ =	shalt  }
0x70: {  	_ =	shalt  }
0x71: {  	_ =	shalt  }
0x72: {  	_ =	shalt  }
0x73: {  	_ =	shalt  }
0x74: {  	_ =	shalt  }
0x75: {  	_ =	shalt  }
0x76: {  	_ =	shalt  }
0x77: {  	_ =	shalt  }
0x78: {  	_ =	shalt  }
0x79: {  	_ =	shalt  }
0x7a: {  	_ =	shalt  }
0x7b: {  	_ =	shalt  }
0x7c: {  	_ =	shalt  }
0x7d: {  	_ =	shalt  }
0x7e: {  	_ =	shalt  }
0x7f: {  	_ =	shalt  }
0x80: {  	_ =	shalt  }
0x81: {  	_ =	shalt  }
0x82: {  	_ =	shalt  }
0x83: {  	_ =	shalt  }
0x84: {  	_ =	shalt  }
0x85: {  	_ =	shalt  }
0x86: {  	_ =	shalt  }
0x87: {  	_ =	shalt  }
.Lfunc_end0:
.L_simem_size_0:
called_computation.2_lowered:
.L_overlay_start_0:
0x88: {  	s2 =	sld [smem:$0x3FD9]  }
0x89: {  	s3 =	sld [smem:$0x3FFE];
	_ =	sdelay $0x1  }
0x8a: {  	s1 =	srdreg.scid  }
0x8b: {  	s0 =	sand.u32 $0x1, s1  }
0x8c: {  	s14 =	sshll.u32 s0, $0xA;
	s2 =	sadd.s32 s3, s2  }
0x8d: {  	s2 =	sadd.s32 s2, s14  }
0x8e: {  	[smem:$0x3FC2] =	sst s2  }
0x8f: {  	_ = 	snop  }
0x90: {  	s2 =	sld [smem:$0x3FD0];
	_ =	sdelay $0x2  }
0x91: {  	s15 =	simm.s32 $0xA;
	s4 =	simm.s32 $0x10  }
0x92: {  	[smem:s4], [sflag:s15] =	dma.local [hbm:s2], $0x1  }
0x93: {  	_ =	swait.eq [sflag:s15], $0x1  }
0x94: {  	[sflag:s15] =	ssyncset.done $0x0  }
0x95: {  	[sflag:s15] =	ssyncadd.s32 $0xFFFFFFFF  }
0x96: {  	s16 =	sld [smem:$0x10];
	(tm) =	ssettm $0x1  }
0x97: {  	s17 =	sld [smem:$0x3FFB];
	_ =	sdelay $0x3  }
0x98: {  	_ =	strace s17  }
0x99: {  	s3 =	sld [smem:$0x3FFC];
	_ =	sdelay $0x3  }
0x9a: {  	_ =	strace s3  }
0x9b: {  	s3 =	sld [smem:$0x3FFD];
	_ =	sdelay $0x3  }
0x9c: {  	_ =	strace s3  }
0x9d: {  	_ =	strace $0x8FFFFFFF  }
0x9e: {  	s18 =	sld [smem:$0x3FDB];
	_ =	sdelay $0x1  }
0x9f: {  	s19 =	simm.s32 $_scs_section_size  }
0xa0: {  	s5 =	simm.s32 $_size__tile_overlayer_lowered;
	s6 =	simm.s32 $_tile_overlayer_lowered  }
0xa1: {  	s22 =	simm.s32 $0x1BFF;
	s21 =	sshll.u32 s6, $0x1;
	s3 =	sadd.s32 s19, s18  }
0xa2: {  	s7 =	simm.s32 $0x0;
	s20 =	sshll.u32 s5, $0x1;
	s5 =	sadd.s32 s21, s3  }
0xa3: {  	[timem:s7], [sflag:s22] =	dma.local [hbm:s5], s20  }
0xa4: {  	_ =	swait.ge [sflag:s22], s20  }
0xa5: {  	s4 =	ssub.s32 $0x0, s20;
	[sflag:s22] =	ssyncset.done $0x0  }
0xa6: {  	[sflag:s22] =	ssyncadd.s32 s4;
	_ =	sdelay $0x1  }
0xa7: {  	s23 =	simm.s32 $0x1B8B  }
0xa8: {  	_ =	swait.ge [sflag:s23], $0x1  }
0xa9: {  	[sflag:s23] =	ssyncset.done $0x0  }
0xaa: {  	s25 =	simm.s32 $0x1B8E;
	s24 =	sld [smem:$0x3FFE];
	[sflag:s23] =	ssyncadd.s32 $0xFFFFFFFF  }
0xab: {  	s26 =	simm.s32 $execute0_lowered;
	[smem:$0x3FD2] =	sst s25  }
0xac: {  	s5 =	sshll.u32 s26, $0x1;
	_ =	strace $0x8000004C;
	[dreg:$0x1] =	wrdreg $0xFFFFFFFF  }
0xad: {  	s28 =	simm.s32 $_size_execute0_lowered;
	s3 =	sadd.s32 s3, s5;
	[dreg:$0x0] =	wrdreg $0x0  }
0xae: {  	s5 =	sshll.u32 s28, $0x1;
	[dreg:$0x2] =	wrdreg s3  }
0xaf: {  	[dreg:$0x3] =	wrdreg s5  }
0xb0: {  	[dreg:$0x4] =	wrdreg $0xC0  }
0xb1: {  	_ =	task [dreg:s7], $0x5FFFF  }
0xb2: {  	[dreg:$0x1] =	wrdreg $0xFFFFFFFF  }
0xb3: {  	[dreg:$0x0] =	wrdreg $0x60  }
0xb4: {  	[dreg:$0x2] =	wrdreg s24  }
0xb5: {  	[dreg:$0x3] =	wrdreg s16  }
0xb6: {  	[dreg:$0x4] =	wrdreg $0x98000  }
0xb7: {  	[dreg:$0x5] =	wrdreg $0x9  }
0xb8: {  	_ =	task.clear_ibuf [dreg:s7], $0x6FFFF;
	_ =	strace $0x9000004C  }
0xb9: {  	s29 =	simm.s32 $0x9;
	_ =	strace $0x8000004E  }
0xba: {  	_ =	swait.ge [sflag:s29], $0x1  }
0xbb: {  	[sflag:s29] =	ssyncadd.s32 $0xFFFFFFFF  }
0xbc: {  	_ =	strace $0x9000004E  }
0xbd: {  	_ =	sfence  }
0xbe: {  	s30 =	sld [smem:$0x0];
	_ =	sdelay $0x2  }
0xbf: {  	s31 =	sshll.u32 s1, $0xD;
	s1 =	sshrl.u32 s1, $0x2  }
0xc0: {  	s3 =	sand.u32 $0x4000, s31;
	s1 =	sadd.s32 s1, s30  }
0xc1: {  	s0 =	sor.u32 s3, s0;
	s1 =	sshll.u32 s1, $0x11  }
0xc2: {  	s0 =	sor.u32 s1, s0  }
0xc3: {  	s0 =	sadd.s32 $0x8F2B, s0  }
0xc4: {  	[sflag:s0] =	ssyncadd.remote.s32 $0x1  }
0xc5: {  	_ =	sfence.sel $0xFFFF  }
0xc6: {  	[dreg:$0x0] =	wrdreg $0xFFFFFFFF;
	(pc) =	sbr.abs _section_cstart, $3  }
0xc7: {  	[dreg:$0x1] =	wrdreg $0xFFFFFFFF  }
0xc8: {  	_ =	task.clear_ibuf [dreg:s7], $0x2FFFF;
	_ =	strace $0x9FFFFFFF  }
0xc9: {  	(tm) =	ssettm $0x7FFFFFFF  }
tec
execute0_lowered:
.L_overlay_start_1:
0x0: {  	(tag) =	ssettag $0x1  }
0x1: {  	s5 =	rddreg [dreg:$0x0]  }
0x2: {  	s1 =	srdreg.scid;
	s7 =	rddreg [dreg:$0x1]  }
0x3: {  	s0 =	stileid.u32;
	s2 =	rddreg [dreg:$0x2];
	s3 =	simm.s32 $0x0  }
0x4: {  	s15 =	simm.s32 $0x5800;
	s16 =	simm.s32 $0x1;
	s17 =	simm.s32 $0x0  }
0x5: {  	s6 =	sand.u32 $0x1, s1;
	s26 =	sshll.u32 s0, $0x1;
	s10 =	smul.u32 $0x14000, s0  }
0x6: {  	[smem:$0x7FF] =	sst s3;
	s4 =	sadd.s32 $0x29800, s5;
	s12 =	smul.u32 $0x50000, s0  }
0x7: {  	s13 =	sadd.s32 $0x1800, s5;
	s14 =	smul.u32 $0x2800, s0;
	s31 =	sshll.u32 s0, $0x6  }
0x8: {  	s1 =	sor.u32 s6, s26;
	s9 =	smul.u32 $0x140000, s6;
	s28 =	ssub.s32 $0x2, s6  }
0x9: {  	p0 =	seq.s32 s6, $0x0;
	s8 =	smul.u32 $0x580, s1;
	s1 =	rddreg [dreg:$0x3]  }
0xa: {  	_ =	strace $0x8000004D;
	s29 =	sshrl.u32 s28, $0x1;
	s30 =	sshrl.u32 s12, $0x2  }
0xb: {  	s13 =	smov.u32 @p0 s4;
	s9 =	sadd.s32 s10, s9;
	s10 =	ssub.s32 s28, s29  }
0xc: {  	s12 =	sadd.s32 s30, s2;
	s11 =	sadd.s32 s8, s5;
	s9 =	sshrl.u32 s9, $0x3  }
0xd: {  	s12 =	sshrl.u32 s12, $0x3;
	s9 =	sadd.s32 s9, s5;
	s5 =	sadd.s32 s7, s8  }
0xe: {  	s6 =	sadd.s32 $0xA1800, s11;
	s8 =	smax.u32 s10, $0x1;
	s10 =	sadd.s32 s13, s14  }
0xf: {  	s11 =	sor.u32 $0x1C02, s31;
	s7 =	sadd.s32 $0xAC800, s9;
	s9 =	simm.s32 $0x4B  }
0x10: {  	s13 =	simm.s32 $0x2;
	s14 =	simm.s32 $0x80;
	s9 =	simm.s32 @!p0 $0x52  }
.LBB2_1:
0x11: {  	[spmem:s12], [sflag:s11] =	dma.local [hbm:s10], $0x2800  }
0x12: {  	_ =	swait.ge [sflag:s13], $0x2800  }
0x13: {  	[sflag:s13] =	ssyncset.done $0x0  }
0x14: {  	[sflag:s13] =	ssyncadd.s32 $0xFFFFD800  }
0x15: {  	[tilespmem:s3], [sflag:$0x2] =	stream.linear.gather [hbm4b:s5+s3], $0x2900, $0x38;
	[tilespmem:$0x1D800] =	vst v63  }
0x16: {  	_ =	swait.ge [sflag:s13], $0x2900  }
0x17: {  	[sflag:s13] =	ssyncset.done $0x0  }
0x18: {  	s18 =	simm.s32 $0x2C00;
	[sflag:s13] =	ssyncadd.s32 $0xFFFFD700  }
0x19: {  	[tilespmem:s18], [sflag:$0x2] =	stream.linear.gather [hbm4b:s6+s3], $0x2900, $0x38;
	[tilespmem:$0x1D800] =	vst v63  }
0x1a: {  	_ =	swait.ge [sflag:s13], $0x2900  }
0x1b: {  	[sflag:s13] =	ssyncset.done $0x0  }
0x1c: {  	[sflag:s13] =	ssyncadd.s32 $0xFFFFD700  }
0x1d: {  	[bflag:$0x0] =	sbarrier.arrive $0xFFFF  }
0x1e: {  	[tilespmem:s15], [sflag:$0x1] =	stream.indirect.gather [hbm4b:s4+s14], $0x80, s3, s14, $0xb8;
	[tilespmem:$0x1D800] =	vst v63  }
0x1f: {  	p0 =	sne.s32 s9, $0x1;
	_ =	swait.ge [sflag:s16], $0x4000  }
.Ltmp0:
0x20: {  	[sflag:s16] =	ssyncset.done $0x0;
	(pc) =	sbr.rel @!p0 .LBB2_3-.Ltmp0, $4  }
0x21: {  	[sflag:s16] =	ssyncadd.s32 $0xFFFFC000  }
0x22: {  	[spmem:s2] =	stream.indirect.scatter.add.f32 [tilespmem:s15], [sflag:$0x2], $0x80, s18, s14, $0xb8;
	[tilespmem:$0x1D800] =	vst v63  }
0x23: {  	_ =	swait.ge [sflag:s13], $0x4000  }
0x24: {  	s19 =	sadd.s32 $0xFFFFFFFF, s9;
	s20 =	simm.s32 $0x0;
	[sflag:s13] =	ssyncset.done $0x0  }
.LBB2_2:
0x25: {  	[sflag:s13] =	ssyncadd.s32 $0xFFFFC000;
	s20 =	sadd.s32 $0x80, s20;
	s18 =	sadd.s32 $0x80, s18  }
0x26: {  	[tilespmem:s15], [sflag:$0x1] =	stream.indirect.gather [hbm4b:s4+s14], $0x80, s20, s14, $0xb8;
	[tilespmem:$0x1D800] =	vst v63  }
0x27: {  	p0 =	sne.s32 s19, $0x1;
	s19 =	sadd.s32 $0xFFFFFFFF, s19;
	_ =	swait.ge [sflag:s16], $0x4000  }
.Ltmp1:
0x28: {  	[sflag:s16] =	ssyncset.done $0x0;
	(pc) =	sbr.rel @p0 .LBB2_2-.Ltmp1, $4  }
0x29: {  	[sflag:s16] =	ssyncadd.s32 $0xFFFFC000  }
0x2a: {  	[spmem:s2] =	stream.indirect.scatter.add.f32 [tilespmem:s15], [sflag:$0x2], $0x80, s18, s14, $0xb8;
	[tilespmem:$0x1D800] =	vst v63  }
0x2b: {  	_ =	swait.ge [sflag:s13], $0x4000  }
0x2c: {  	[sflag:s13] =	ssyncset.done $0x0  }
.LBB2_3:
0x2d: {  	s17 =	sadd.s32 $0x1, s17  }
0x2e: {  	[sflag:s13] =	ssyncadd.s32 $0xFFFFC000;
	p0 =	sne.s32 s17, s8  }
.Ltmp2:
0x2f: {  	[bflag:$0x0] =	sbarrier.arrive $0xFFFF;
	(pc) =	sbr.rel @p0 .LBB2_1-.Ltmp2, $4  }
0x30: {  	[hbm:s7], [sflag:s11] =	dma.local [spmem:s12], $0x2800  }
0x31: {  	_ =	swait.ge [sflag:s13], $0x2800  }
0x32: {  	[sflag:s13] =	ssyncset.done $0x0  }
0x33: {  	[sflag:s13] =	ssyncadd.s32 $0xFFFFD800  }
0x34: {  	_ =	sfence.sel $0x180000  }
0x35: {  	[bflag:$0x0] =	sbarrier.arrive $0xFFFF  }
0x36: {  	p0 =	sne.s32 s0, $0x0;
	_ =	strace $0x9000004D  }
0x37: {  	s0 =	sadd.s32 @!p0 $0x100000, s1;
	[bflag:$0x2] =	sbarrier.arrive $0xFFFF  }
0x38: {  	[sflag:s0] =	ssyncadd.tile.s32 @!p0 $0x1;
	_ =	shalt  }
.Lfunc_end2:
_tile_overlayer_lowered:
.L_overlay_start_2:
0x39: {  	(tag) =	ssettag $0x2  }
0x3a: {  	s0 =	rddreg [dreg:$0x0];
	s2 =	stileid.u32  }
0x3b: {  	s1 =	rddreg [dreg:$0x1];
	p0 =	sne.s32 s2, $0x0  }
0x3c: {  	s3 =	rddreg [dreg:$0x2];
	[bflag:$0x3] =	sbarrier.arrive $0xFFFF;
	s2 =	simm.s32 @!p0 $0x1C02  }
0x3d: {  	[timem:s3], [sflag:s2] =	dma.local @!p0 [hbm:s0], s1  }
0x3e: {  	s0 =	simm.s32 @!p0 $0x2  }
0x3f: {  	_ =	swait.ge @!p0 [sflag:s0], s1  }
0x40: {  	s1 =	ssub.s32 @!p0 $0x0, s1;
	[sflag:s0] =	ssyncset.done @!p0 $0x0  }
0x41: {  	[sflag:s0] =	ssyncadd.s32 @!p0 s1  }
0x42: {  	[bflag:$0x3] =	sbarrier.arrive $0xFFFF  }
0x43: {  	_ =	shalt  }

// kernel: kernel.8.cloned.1.call-start
scs
__scs_entry_jumppad:
0x0: {  	(pc) =	sbr.rel $0x88, $3  }
0x1: {  	(tag) =	ssettag $0x0;
	lr =	simm.s32 $0x1  }
0x2: {  	[smem:$0x3F9B] =	sst lr;
	_ =	strace $0xD0000000  }
0x3: {  	_ = 	snop  }
0x4: {  	_ = 	snop  }
0x5: {  	_ = 	snop  }
0x6: {  	_ = 	snop  }
0x7: {  	_ = 	snop  }
__scs_overlays_trampoline_lowered:
0x8: {  	[smem:$0x3FAA] =	sst s0  }
0x9: {  	[smem:$0x3FAB] =	sst s1  }
0xa: {  	[smem:$0x3FAC] =	sst s2  }
0xb: {  	[smem:$0x3FAD] =	sst s3  }
0xc: {  	[smem:$0x3FAE] =	sst s4  }
0xd: {  	[smem:$0x3FAF] =	sst s5  }
0xe: {  	[smem:$0x3FB0] =	sst s6  }
0xf: {  	[smem:$0x3FB1] =	sst s7  }
0x10: {  	[smem:$0x3FB2] =	sst s8  }
0x11: {  	[smem:$0x3FB3] =	sst s9;
	s0 =	simm.s32 @!p0 $0x0  }
0x12: {  	s1 =	sld [smem:$0x3F99];
	s0 =	simm.s32 @p0 $0x1  }
0x13: {  	[smem:$0x3FB4] =	sst s0;
	s0 =	simm.s32 @!p1 $0x0  }
0x14: {  	s2 =	sld [smem:$0x3F98];
	s0 =	simm.s32 @p1 $0x1  }
0x15: {  	[smem:$0x3FB5] =	sst s0;
	s0 =	simm.s32 @!p2 $0x0  }
0x16: {  	s3 =	sld [smem:$0x3FDB];
	s0 =	simm.s32 @p2 $0x1  }
0x17: {  	s4 =	simm.s32 $0x1BF5;
	[smem:$0x3FB7] =	sst s0  }
0x18: {  	s0 =	sld [smem:$0x3F9A];
	_ =	swait.ge [sflag:s4], $0x0  }
0x19: {  	s7 =	sld [smem:$0x3F9B]  }
0x1a: {  	s8 =	sadd.s32 $0xFFFFE003, lr  }
0x1b: {  	s9 =	sadd.s32 $0xFFFFFEF7, lr;
	s5 =	simm.s32 $0xFFFFFFFF;
	p2 =	slt.u32 s8, $0xFFFFF086  }
0x1c: {  	p1 =	slt.u32 s9, $0xF7A;
	s5 =	simm.s32 @!p2 $0x0  }
0x1d: {  	s5 =	simm.s32 @p1 $0x1;
	p0 =	seq.s32 s7, s2  }
0x1e: {  	s7 =	smul.u32 @!p0 $0xF7A, s2;
	p2 =	seq.s32 @!p0 s5, $0x0  }
0x1f: {  	s9 =	smul.u32 $0xF7A, s1;
	s8 =	simm.s32 @!p0 $0x1BF5;
	p2 =	por !p2, p0  }
0x20: {  	[sflag:s8] =	ssyncset.s32 @!p0 $0xFFFFF086;
	s6 =	sadd.s32 @!p0 s3, s7;
	s7 =	simm.s32 @!p0 $0x108  }
0x21: {  	s3 =	sadd.s32 s3, s9;
	s6 =	sadd.s32 @!p0 $0x88, s6;
	s7 =	simm.s32 @p2 $0x1082  }
0x22: {  	[simem:s7], [sflag:s8] =	dma.local @!p0 [hbm:s6], $0xF7A  }
0x23: {  	s9 =	sor.u32 $0xD0000000, s2;
	s6 =	simm.s32 $0x108;
	_ =	swait.ge @!p0 [sflag:s8], $0x0  }
0x24: {  	s3 =	sadd.s32 $0x88, s3;
	s6 =	simm.s32 @!p1 $0x1082;
	[sflag:s4] =	ssyncset.s32 $0xFFFFF086  }
0x25: {  	[simem:s6], [sflag:s4] =	dma.local [hbm:s3], $0xF7A  }
0x26: {  	[smem:$0x3F9B] =	sst s1;
	(tag) =	ssettag s2;
	_ =	strace s9  }
0x27: {  	s1 =	sld [smem:$0x3FAB]  }
0x28: {  	s2 =	sld [smem:$0x3FAC]  }
0x29: {  	s4 =	sld [smem:$0x3FAE]  }
0x2a: {  	p0 =	seq.s32 s5, $0x0;
	s5 =	sld [smem:$0x3FAF]  }
0x2b: {  	s6 =	sld [smem:$0x3FB0]  }
0x2c: {  	s7 =	sld [smem:$0x3FB1]  }
0x2d: {  	s3 =	simm.s32 $0x108;
	s8 =	sld [smem:$0x3FB2]  }
0x2e: {  	s3 =	simm.s32 @!p0 $0x1082;
	s9 =	sld [smem:$0x3FB3]  }
0x2f: {  	lr =	sadd.s32 s0, s3;
	s0 =	sld [smem:$0x3FAA]  }
0x30: {  	s3 =	sld [smem:$0x3FAD]  }
0x31: {  	[smem:$0x3FB6] =	sst s10  }
0x32: {  	s10 =	sld [smem:$0x3FB4];
	_ =	sdelay $0x3  }
0x33: {  	p0 =	seq.s32 s10, $0x1;
	s10 =	sld [smem:$0x3FB6];
	_ =	sdelay $0x3  }
0x34: {  	[smem:$0x3FB6] =	sst s10  }
0x35: {  	s10 =	sld [smem:$0x3FB5];
	_ =	sdelay $0x3  }
0x36: {  	p1 =	seq.s32 s10, $0x1;
	s10 =	sld [smem:$0x3FB6];
	_ =	sdelay $0x3  }
0x37: {  	[smem:$0x3FB6] =	sst s10  }
0x38: {  	s10 =	sld [smem:$0x3FB7]  }
0x39: {  	_ = 	snop;
	(pc) =	sbr.ind lr, $3  }
0x3a: {  	_ = 	snop  }
0x3b: {  	_ = 	snop  }
0x3c: {  	p2 =	seq.s32 s10, $0x1;
	s10 =	sld [smem:$0x3FB6]  }
0x3d: {  	_ =	shalt  }
0x3e: {  	_ =	shalt  }
0x3f: {  	_ =	shalt  }
0x40: {  	_ =	shalt  }
0x41: {  	_ =	shalt  }
0x42: {  	_ =	shalt  }
0x43: {  	_ =	shalt  }
0x44: {  	_ =	shalt  }
0x45: {  	_ =	shalt  }
0x46: {  	_ =	shalt  }
0x47: {  	_ =	shalt  }
0x48: {  	_ =	shalt  }
0x49: {  	_ =	shalt  }
0x4a: {  	_ =	shalt  }
0x4b: {  	_ =	shalt  }
0x4c: {  	_ =	shalt  }
0x4d: {  	_ =	shalt  }
0x4e: {  	_ =	shalt  }
0x4f: {  	_ =	shalt  }
0x50: {  	_ =	shalt  }
0x51: {  	_ =	shalt  }
0x52: {  	_ =	shalt  }
0x53: {  	_ =	shalt  }
0x54: {  	_ =	shalt  }
0x55: {  	_ =	shalt  }
0x56: {  	_ =	shalt  }
0x57: {  	_ =	shalt  }
0x58: {  	_ =	shalt  }
0x59: {  	_ =	shalt  }
0x5a: {  	_ =	shalt  }
0x5b: {  	_ =	shalt  }
0x5c: {  	_ =	shalt  }
0x5d: {  	_ =	shalt  }
0x5e: {  	_ =	shalt  }
0x5f: {  	_ =	shalt  }
0x60: {  	_ =	shalt  }
0x61: {  	_ =	shalt  }
0x62: {  	_ =	shalt  }
0x63: {  	_ =	shalt  }
0x64: {  	_ =	shalt  }
0x65: {  	_ =	shalt  }
0x66: {  	_ =	shalt  }
0x67: {  	_ =	shalt  }
0x68: {  	_ =	shalt  }
0x69: {  	_ =	shalt  }
0x6a: {  	_ =	shalt  }
0x6b: {  	_ =	shalt  }
0x6c: {  	_ =	shalt  }
0x6d: {  	_ =	shalt  }
0x6e: {  	_ =	shalt  }
0x6f: {  	_ =	shalt  }
0x70: {  	_ =	shalt  }
0x71: {  	_ =	shalt  }
0x72: {  	_ =	shalt  }
0x73: {  	_ =	shalt  }
0x74: {  	_ =	shalt  }
0x75: {  	_ =	shalt  }
0x76: {  	_ =	shalt  }
0x77: {  	_ =	shalt  }
0x78: {  	_ =	shalt  }
0x79: {  	_ =	shalt  }
0x7a: {  	_ =	shalt  }
0x7b: {  	_ =	shalt  }
0x7c: {  	_ =	shalt  }
0x7d: {  	_ =	shalt  }
0x7e: {  	_ =	shalt  }
0x7f: {  	_ =	shalt  }
0x80: {  	_ =	shalt  }
0x81: {  	_ =	shalt  }
0x82: {  	_ =	shalt  }
0x83: {  	_ =	shalt  }
0x84: {  	_ =	shalt  }
0x85: {  	_ =	shalt  }
0x86: {  	_ =	shalt  }
0x87: {  	_ =	shalt  }
.Lfunc_end0:
.L_simem_size_0:
called_computation_lowered:
.L_overlay_start_0:
0x88: {  	s2 =	sld [smem:$0x3FD9]  }
0x89: {  	s3 =	sld [smem:$0x3FFE];
	_ =	sdelay $0x1  }
0x8a: {  	s1 =	srdreg.scid  }
0x8b: {  	s0 =	sand.u32 $0x1, s1  }
0x8c: {  	s14 =	sshll.u32 s0, $0xA;
	s2 =	sadd.s32 s3, s2  }
0x8d: {  	s2 =	sadd.s32 s2, s14  }
0x8e: {  	[smem:$0x3FC2] =	sst s2  }
0x8f: {  	_ = 	snop  }
0x90: {  	s2 =	sld [smem:$0x3FD0];
	_ =	sdelay $0x2  }
0x91: {  	s15 =	simm.s32 $0xA;
	s4 =	simm.s32 $0x10  }
0x92: {  	[smem:s4], [sflag:s15] =	dma.local [hbm:s2], $0x1  }
0x93: {  	_ =	swait.eq [sflag:s15], $0x1  }
0x94: {  	[sflag:s15] =	ssyncset.done $0x0  }
0x95: {  	[sflag:s15] =	ssyncadd.s32 $0xFFFFFFFF  }
0x96: {  	s16 =	sld [smem:$0x11];
	(tm) =	ssettm $0x1  }
0x97: {  	s17 =	sld [smem:$0x3FFB];
	_ =	sdelay $0x3  }
0x98: {  	_ =	strace s17  }
0x99: {  	s3 =	sld [smem:$0x3FFC];
	_ =	sdelay $0x3  }
0x9a: {  	_ =	strace s3  }
0x9b: {  	s3 =	sld [smem:$0x3FFD];
	_ =	sdelay $0x3  }
0x9c: {  	_ =	strace s3  }
0x9d: {  	_ =	strace $0x8FFFFFFF  }
0x9e: {  	s18 =	sld [smem:$0x3FDB];
	_ =	sdelay $0x1  }
0x9f: {  	s19 =	simm.s32 $_scs_section_size  }
0xa0: {  	s5 =	simm.s32 $_size__tile_overlayer_lowered;
	s6 =	simm.s32 $_tile_overlayer_lowered  }
0xa1: {  	s22 =	simm.s32 $0x1BFF;
	s21 =	sshll.u32 s6, $0x1;
	s3 =	sadd.s32 s19, s18  }
0xa2: {  	s7 =	simm.s32 $0x0;
	s20 =	sshll.u32 s5, $0x1;
	s5 =	sadd.s32 s21, s3  }
0xa3: {  	[timem:s7], [sflag:s22] =	dma.local [hbm:s5], s20  }
0xa4: {  	_ =	swait.ge [sflag:s22], s20  }
0xa5: {  	s4 =	ssub.s32 $0x0, s20;
	[sflag:s22] =	ssyncset.done $0x0  }
0xa6: {  	[sflag:s22] =	ssyncadd.s32 s4;
	_ =	sdelay $0x1  }
0xa7: {  	s23 =	simm.s32 $0x1B8B  }
0xa8: {  	_ =	swait.ge [sflag:s23], $0x1  }
0xa9: {  	[sflag:s23] =	ssyncset.done $0x0  }
0xaa: {  	s25 =	simm.s32 $0x1B8E;
	s24 =	sld [smem:$0x3FFE];
	[sflag:s23] =	ssyncadd.s32 $0xFFFFFFFF  }
0xab: {  	s26 =	simm.s32 $execute0_lowered;
	[smem:$0x3FD2] =	sst s25  }
0xac: {  	s5 =	sshll.u32 s26, $0x1;
	_ =	strace $0x80000046;
	[dreg:$0x1] =	wrdreg $0xFFFFFFFF  }
0xad: {  	s28 =	simm.s32 $_size_execute0_lowered;
	s3 =	sadd.s32 s3, s5;
	[dreg:$0x0] =	wrdreg $0x0  }
0xae: {  	s5 =	sshll.u32 s28, $0x1;
	[dreg:$0x2] =	wrdreg s3  }
0xaf: {  	[dreg:$0x3] =	wrdreg s5  }
0xb0: {  	[dreg:$0x4] =	wrdreg $0xC0  }
0xb1: {  	_ =	task [dreg:s7], $0x5FFFF  }
0xb2: {  	[dreg:$0x1] =	wrdreg $0xFFFFFFFF  }
0xb3: {  	[dreg:$0x0] =	wrdreg $0x60  }
0xb4: {  	[dreg:$0x2] =	wrdreg s16  }
0xb5: {  	[dreg:$0x3] =	wrdreg s24  }
0xb6: {  	[dreg:$0x4] =	wrdreg $0x68000  }
0xb7: {  	[dreg:$0x5] =	wrdreg $0x9  }
0xb8: {  	_ =	task.clear_ibuf [dreg:s7], $0x6FFFF;
	_ =	strace $0x90000046  }
0xb9: {  	s29 =	simm.s32 $0x9;
	_ =	strace $0x80000048  }
0xba: {  	_ =	swait.ge [sflag:s29], $0x1  }
0xbb: {  	[sflag:s29] =	ssyncadd.s32 $0xFFFFFFFF  }
0xbc: {  	_ =	strace $0x90000048  }
0xbd: {  	_ =	sfence  }
0xbe: {  	s30 =	sld [smem:$0x0];
	_ =	sdelay $0x2  }
0xbf: {  	s31 =	sshll.u32 s1, $0xD;
	s1 =	sshrl.u32 s1, $0x2  }
0xc0: {  	s3 =	sand.u32 $0x4000, s31;
	s1 =	sadd.s32 s1, s30  }
0xc1: {  	s0 =	sor.u32 s3, s0;
	s1 =	sshll.u32 s1, $0x11  }
0xc2: {  	s0 =	sor.u32 s1, s0  }
0xc3: {  	s0 =	sadd.s32 $0x8F2B, s0  }
0xc4: {  	[sflag:s0] =	ssyncadd.remote.s32 $0x1  }
0xc5: {  	_ =	sfence.sel $0xFFFF  }
0xc6: {  	[dreg:$0x0] =	wrdreg $0xFFFFFFFF;
	(pc) =	sbr.abs _section_cstart, $3  }
0xc7: {  	[dreg:$0x1] =	wrdreg $0xFFFFFFFF  }
0xc8: {  	_ =	task.clear_ibuf [dreg:s7], $0x2FFFF;
	_ =	strace $0x9FFFFFFF  }
0xc9: {  	(tm) =	ssettm $0x7FFFFFFF  }
tec
execute0_lowered:
.L_overlay_start_1:
0x0: {  	(tag) =	ssettag $0x1  }
0x1: {  	s5 =	rddreg [dreg:$0x0]  }
0x2: {  	s6 =	rddreg [dreg:$0x1]  }
0x3: {  	s0 =	srdreg.scid;
	s2 =	rddreg [dreg:$0x2]  }
0x4: {  	s1 =	stileid.u32;
	s3 =	simm.s32 $0x0;
	s13 =	simm.s32 $0x80  }
0x5: {  	s14 =	simm.s32 $0x100;
	s15 =	simm.s32 $0x180;
	s16 =	simm.s32 $0x4  }
0x6: {  	s17 =	simm.s32 $0x1;
	s18 =	simm.s32 $0x2;
	s19 =	simm.s32 $0x3  }
0x7: {  	s7 =	sand.u32 $0x1, s0;
	s0 =	rddreg [dreg:$0x3];
	s8 =	smul.u32 $0x14000, s1  }
0x8: {  	s20 =	simm.s32 $0x0;
	[smem:$0x7FF] =	sst s3;
	s12 =	smul.u32 $0x50000, s1  }
0x9: {  	s9 =	sadd.s32 $0x1800, s6;
	s11 =	sshll.u32 s1, $0x1;
	s30 =	smul.u32 $0x2800, s1  }
0xa: {  	s31 =	sshll.u32 s1, $0x6;
	s4 =	smul.u32 $0x140000, s7;
	_ =	strace $0x80000047  }
0xb: {  	s10 =	ssub.s32 $0x2, s7;
	s11 =	sor.u32 s7, s11;
	p0 =	seq.s32 s7, $0x0  }
0xc: {  	s28 =	sshrl.u32 s10, $0x1;
	s29 =	sshrl.u32 s12, $0x2;
	s11 =	smul.u32 $0x500, s11  }
0xd: {  	s12 =	simm.s32 $0x2800;
	s8 =	sadd.s32 s8, s4;
	s4 =	sadd.s32 $0x29800, s6  }
0xe: {  	s8 =	sshrl.u32 s8, $0x3;
	s5 =	sadd.s32 s5, s11;
	s9 =	smov.u32 @p0 s4  }
0xf: {  	s11 =	simm.s32 $0x5;
	s6 =	sadd.s32 s8, s6;
	s8 =	ssub.s32 s10, s28  }
0x10: {  	s10 =	sadd.s32 s29, s2;
	s6 =	sadd.s32 $0x51800, s6;
	s7 =	smax.u32 s8, $0x1  }
0x11: {  	s8 =	sadd.s32 s9, s30;
	s9 =	sor.u32 $0x1C05, s31;
	s10 =	sshrl.u32 s10, $0x3  }
.LBB2_1:
0x12: {  	[spmem:s10], [sflag:s9] =	dma.local [hbm:s8], $0x2800  }
0x13: {  	_ =	swait.ge [sflag:s11], $0x2800  }
0x14: {  	[sflag:s11] =	ssyncset.done $0x0  }
0x15: {  	[sflag:s11] =	ssyncadd.s32 $0xFFFFD800  }
0x16: {  	[tilespmem:s12], [sflag:$0x5] =	stream.linear.gather [hbm4b:s4+s3], $0x4000, $0x38;
	[tilespmem:$0x1A800] =	vst v63  }
0x17: {  	_ =	swait.ge [sflag:s11], $0x4000  }
0x18: {  	[sflag:s11] =	ssyncset.done $0x0  }
0x19: {  	[sflag:s11] =	ssyncadd.s32 $0xFFFFC000  }
0x1a: {  	[tilespmem:s3], [sflag:$0x5] =	stream.linear.gather [hbm4b:s5+s3], $0x2780, $0x38;
	[tilespmem:$0x1A800] =	vst v63  }
0x1b: {  	_ =	swait.ge [sflag:s11], $0x2780  }
0x1c: {  	[sflag:s11] =	ssyncset.done $0x0  }
0x1d: {  	[sflag:s11] =	ssyncadd.s32 $0xFFFFD880  }
0x1e: {  	[bflag:$0x0] =	sbarrier.arrive $0xFFFF  }
0x1f: {  	[spmem:s2] =	stream.indirect.scatter.add.f32 [tilespmem:s12], [sflag:$0x1], $0x80, s3, s13, $0xb8;
	[tilespmem:$0x1A800] =	vst v63  }
0x20: {  	_ = 	snop  }
0x21: {  	[spmem:s2] =	stream.indirect.scatter.add.f32 [tilespmem:s12], [sflag:$0x2], $0x80, s13, s13, $0xb8;
	[tilespmem:$0x1A800] =	vst v63  }
0x22: {  	_ = 	snop  }
0x23: {  	[spmem:s2] =	stream.indirect.scatter.add.f32 [tilespmem:s12], [sflag:$0x3], $0x80, s14, s13, $0xb8;
	[tilespmem:$0x1A800] =	vst v63  }
0x24: {  	s21 =	simm.s32 $0x200;
	s22 =	simm.s32 $0x4  }
0x25: {  	[spmem:s2] =	stream.indirect.scatter.add.f32 [tilespmem:s12], [sflag:$0x4], $0x80, s15, s13, $0xb8;
	[tilespmem:$0x1A800] =	vst v63  }
.LBB2_2:
0x26: {  	s23 =	sand.u32 $0x3, s22  }
0x27: {  	p0 =	sgt.s32 s23, $0x1  }
0x28: {  	p2 =	seq.s32 @p0 s23, $0x2  }
0x29: {  	p1 =	por !p2, !p0  }
0x2a: {  	p2 =	por p2, !p0;
	s24 =	simm.s32 @!p1 $0x80;
	s25 =	simm.s32 @!p1 $0x2800  }
0x2b: {  	[spmem:s2] =	stream.indirect.scatter.add.f32 @!p1 [tilespmem:s25], [sflag:$0x3], $0x80, s21, s24, $0xb8;
	[tilespmem:$0x1A800] =	vst v63  }
0x2c: {  	s24 =	simm.s32 @!p2 $0x80;
	s25 =	simm.s32 @!p2 $0x2800  }
0x2d: {  	[spmem:s2] =	stream.indirect.scatter.add.f32 @!p2 [tilespmem:s25], [sflag:$0x4], $0x80, s21, s24, $0xb8;
	[tilespmem:$0x1A800] =	vst v63  }
0x2e: {  	p2 =	seq.s32 @!p0 s23, $0x0  }
0x2f: {  	p3 =	por !p2, p0  }
0x30: {  	p2 =	por p2, p0;
	s23 =	simm.s32 @!p3 $0x80;
	s24 =	simm.s32 @!p3 $0x2800  }
0x31: {  	[spmem:s2] =	stream.indirect.scatter.add.f32 @!p3 [tilespmem:s24], [sflag:$0x1], $0x80, s21, s23, $0xb8;
	[tilespmem:$0x1A800] =	vst v63  }
0x32: {  	s23 =	simm.s32 @!p2 $0x80;
	s24 =	simm.s32 @!p2 $0x2800  }
0x33: {  	[spmem:s2] =	stream.indirect.scatter.add.f32 @!p2 [tilespmem:s24], [sflag:$0x2], $0x80, s21, s23, $0xb8;
	[tilespmem:$0x1A800] =	vst v63  }
0x34: {  	s24 =	simm.s32 @!p1 $0x3;
	s23 =	simm.s32 @!p3 $0x1  }
0x35: {  	s22 =	sadd.s32 $0x1, s22;
	s24 =	simm.s32 @p1 $0x4;
	s23 =	simm.s32 @p3 $0x2  }
0x36: {  	s23 =	smov.u32 @p0 s24;
	p0 =	sne.s32 s22, $0x4F  }
.Ltmp0:
0x37: {  	_ = 	snop;
	(pc) =	sbr.rel @p0 .LBB2_2-.Ltmp0, $4  }
0x38: {  	_ = 	snop  }
0x39: {  	_ =	swait.ge [sflag:s23], $0x4000  }
0x3a: {  	[sflag:s23] =	ssyncset.done $0x0  }
0x3b: {  	s21 =	sadd.s32 $0x80, s21;
	[sflag:s23] =	ssyncadd.s32 $0xFFFFC000  }
0x3c: {  	_ =	swait.ge [sflag:s16], $0x4000  }
0x3d: {  	[sflag:s16] =	ssyncset.done $0x0  }
0x3e: {  	[sflag:s16] =	ssyncadd.s32 $0xFFFFC000  }
0x3f: {  	_ =	swait.ge [sflag:s17], $0x4000  }
0x40: {  	[sflag:s17] =	ssyncset.done $0x0  }
0x41: {  	[sflag:s17] =	ssyncadd.s32 $0xFFFFC000  }
0x42: {  	_ =	swait.ge [sflag:s18], $0x4000  }
0x43: {  	[sflag:s18] =	ssyncset.done $0x0  }
0x44: {  	[sflag:s18] =	ssyncadd.s32 $0xFFFFC000  }
0x45: {  	_ =	swait.ge [sflag:s19], $0x4000  }
0x46: {  	s20 =	sadd.s32 $0x1, s20;
	[sflag:s19] =	ssyncset.done $0x0  }
0x47: {  	p0 =	sne.s32 s20, s7;
	[sflag:s19] =	ssyncadd.s32 $0xFFFFC000  }
.Ltmp1:
0x48: {  	[bflag:$0x0] =	sbarrier.arrive $0xFFFF;
	(pc) =	sbr.rel @p0 .LBB2_1-.Ltmp1, $4  }
0x49: {  	[hbm:s6], [sflag:s9] =	dma.local [spmem:s10], $0x2800  }
0x4a: {  	_ =	swait.ge [sflag:s11], $0x2800  }
0x4b: {  	[sflag:s11] =	ssyncset.done $0x0  }
0x4c: {  	[sflag:s11] =	ssyncadd.s32 $0xFFFFD800  }
0x4d: {  	_ =	sfence.sel $0x180000  }
0x4e: {  	[bflag:$0x0] =	sbarrier.arrive $0xFFFF  }
0x4f: {  	p0 =	sne.s32 s1, $0x0;
	_ =	strace $0x90000047  }
0x50: {  	s0 =	sadd.s32 @!p0 $0x100000, s0;
	[bflag:$0x2] =	sbarrier.arrive $0xFFFF  }
0x51: {  	[sflag:s0] =	ssyncadd.tile.s32 @!p0 $0x1;
	_ =	shalt  }
.Lfunc_end2:
_tile_overlayer_lowered:
.L_overlay_start_2:
0x52: {  	(tag) =	ssettag $0x2  }
0x53: {  	s0 =	rddreg [dreg:$0x0];
	s2 =	stileid.u32  }
0x54: {  	s1 =	rddreg [dreg:$0x1];
	p0 =	sne.s32 s2, $0x0  }
0x55: {  	s3 =	rddreg [dreg:$0x2];
	[bflag:$0x3] =	sbarrier.arrive $0xFFFF;
	s2 =	simm.s32 @!p0 $0x1C05  }
0x56: {  	[timem:s3], [sflag:s2] =	dma.local @!p0 [hbm:s0], s1  }
0x57: {  	s0 =	simm.s32 @!p0 $0x5  }
0x58: {  	_ =	swait.ge @!p0 [sflag:s0], s1  }
0x59: {  	s1 =	ssub.s32 @!p0 $0x0, s1;
	[sflag:s0] =	ssyncset.done @!p0 $0x0  }
0x5a: {  	[sflag:s0] =	ssyncadd.s32 @!p0 s1  }
0x5b: {  	[bflag:$0x3] =	sbarrier.arrive $0xFFFF  }
0x5c: {  	_ =	shalt  }

</sc_bundles>
